<compile_context>
chip_gen: v7x
topology: tpu7x:2x2x1
jax: 0.10.2.dev20260603
libtpu: 0.0.44.dev20260713+nightly
codegen_flags: <defaults>
</compile_context>

<pallas_src>
import functools

import jax
import jax.numpy as jnp
from jax import lax
from jax.experimental import pallas as pl
from jax.experimental.pallas import tpu as pltpu
from jax.experimental.pallas import tpu_sc as plsc


def _sc_gather(table2, idx_all, n_rows, NW):
    W = table2.shape[1]
    rpw = n_rows // NW
    CH = 128
    NBUF = 4
    n_grp = rpw // (NBUF * CH)

    mesh = plsc.VectorSubcoreMesh(core_axis_name="c", subcore_axis_name="s")

    @functools.partial(
        pl.kernel,
        mesh=mesh,
        out_type=jax.ShapeDtypeStruct((n_rows, W), jnp.float32),
        scratch_types=[
            pltpu.VMEM((rpw,), jnp.int32),
            pltpu.VMEM((NBUF * CH, W), jnp.float32),
            pltpu.SemaphoreType.DMA,
        ],
    )
    def gather_k(table_hbm, idx_hbm, out_hbm, idx_v, rows_v, sem):
        wid = lax.axis_index("s") * 2 + lax.axis_index("c")
        pltpu.sync_copy(idx_hbm.at[wid], idx_v)
        for g in range(n_grp):
            cps = []
            for j in range(NBUF):
                c = g * NBUF + j
                cps.append(
                    pltpu.async_copy(
                        table_hbm.at[idx_v.at[pl.ds(c * CH, CH)]],
                        rows_v.at[pl.ds(j * CH, CH)],
                        sem,
                    )
                )
            for cp in cps:
                cp.wait()
            for j in range(NBUF):
                c = g * NBUF + j
                pltpu.sync_copy(
                    rows_v.at[pl.ds(j * CH, CH)],
                    out_hbm.at[pl.ds(wid * rpw + c * CH, CH)],
                )

    return gather_k(table2, idx_all)


def _tc_mlp(emb, par, W1, b1, W2, b2, B, L, H, E, S):
    D = W1.shape[0]

    def mlp_k(emb_ref, par_ref, W1_ref, b1_ref, W2_ref, b2_ref, out_ref):
        w1 = W1_ref[...].astype(jnp.bfloat16)
        m = None
        for l in range(L):
            e = emb_ref[l]
            p = par_ref[l]
            es = jnp.where(p > 0.5, e[:, D:], e[:, :D])
            z = jnp.dot(
                es.astype(jnp.bfloat16), w1, preferred_element_type=jnp.float32
            )
            m = z if m is None else jnp.maximum(m, z)
        m = jnp.maximum(m + b1_ref[...], 0.0)
        out_ref[...] = (
            jnp.dot(
                m.astype(jnp.bfloat16),
                W2_ref[...].astype(jnp.bfloat16),
                preferred_element_type=jnp.float32,
            )
            + b2_ref[...]
        )

    return pl.pallas_call(
        mlp_k,
        grid=(B // S,),
        in_specs=[
            pl.BlockSpec((L, S, 2 * D), lambda i: (0, i, 0)),
            pl.BlockSpec((L, S, 1), lambda i: (0, i, 0)),
            pl.BlockSpec((D, H), lambda i: (0, 0)),
            pl.BlockSpec((1, H), lambda i: (0, 0)),
            pl.BlockSpec((H, E), lambda i: (0, 0)),
            pl.BlockSpec((1, E), lambda i: (0, 0)),
        ],
        out_specs=pl.BlockSpec((S, E), lambda i: (i, 0)),
        out_shape=jax.ShapeDtypeStruct((B, E), jnp.float32),
        compiler_params=pltpu.CompilerParams(
            dimension_semantics=("arbitrary",),
        ),
    )(emb, par, W1, b1.reshape(1, H), W2, b2.reshape(1, E))


def kernel(x, table, W1, b1, W2, b2):
    B, L = x.shape
    V, D = table.shape
    H = W1.shape[1]
    E = W2.shape[1]
    NW = 32

    xi = x.astype(jnp.int32)
    idx_all = (xi >> 1).T.reshape(NW, -1)
    par = (xi & 1).T.reshape(L, B, 1).astype(jnp.float32)

    table2 = table.reshape(V // 2, 2 * D)
    emb = _sc_gather(table2, idx_all, B * L, NW)
    return _tc_mlp(
        emb.reshape(L, B, 2 * D), par, W1, b1, W2, b2, B, L, H, E, S=256
    )

# --- scband reference (transcript-rebuilt; emitter-appended) ---
"""Pipeline reference for scband-sentence-embedding-12068858101886 (READ-ONLY COPY).

The authoritative reference and input builder live on the scoring server;
editing this copy changes nothing except your own understanding.
"""

import jax, jax.numpy as jnp
import numpy as np


def setup_inputs(seed: int = 0) -> dict:
    key = jax.random.key(seed)
    ks = jax.random.split(key, 6)
    B, L = 4096, 16
    V, D = 1000000, 64
    H, E = 512, 128
    x = jax.random.randint(ks[0], (B, L), 0, V)
    table = jax.random.normal(ks[1], (V, D), dtype=jnp.float32) * 0.02
    W1 = jax.random.normal(ks[2], (D, H), dtype=jnp.float32) * (1.0 / np.sqrt(D))
    b1 = jnp.zeros((H,), dtype=jnp.float32)
    W2 = jax.random.normal(ks[3], (H, E), dtype=jnp.float32) * (1.0 / np.sqrt(H))
    b2 = jnp.zeros((E,), dtype=jnp.float32)
    return {"x": x, "table": table, "W1": W1, "b1": b1, "W2": W2, "b2": b2}


def reference(x, table, W1, b1, W2, b2):
    # word_embd lookup: [B, L] -> [B, L, D]
    emb = jnp.take(table, x, axis=0)
    # fc1 + relu: [B, L, H]
    h = jax.nn.relu(emb @ W1 + b1)
    # max-pool over words (th.max(x, dim=1)[0]): [B, H]
    m = jnp.max(h, axis=1)
    # fc2: [B, E]
    out = m @ W2 + b2
    return out

if __name__ == "__main__":
    import jax
    _d = setup_inputs()
    print(jax.jit(kernel)(*tuple(_d.values())))

</pallas_src>

<mosaic_0001>
#map = affine_map<(d0, d1) -> (0, 0)>
module attributes {stable_mosaic.version = 14 : i64} {
  func.func @gather_k(%arg0: i32, %arg1: i32, %arg2: memref<500000x128xf32, #tpu.memory_space<hbm>>, %arg3: memref<32x2048xi32, #tpu.memory_space<hbm>>, %arg4: memref<65536x128xf32, #tpu.memory_space<hbm>>, %arg5: memref<2048xi32, #tpu.memory_space<vmem>>, %arg6: memref<512x128xf32, #tpu.memory_space<vmem>>, %arg7: memref<!tpu.dma_semaphore, #tpu.memory_space<semaphore_mem>>) attributes {dimension_semantics = [#tpu.dimension_semantics<core_parallel>, #tpu.dimension_semantics<subcore_parallel>], iteration_bounds = array<i64: 2, 16>, scalar_prefetch = 0 : i64, scratch_operands = 3 : i64, tpu.core_type = #tpu.core_type<sc_vector_subcore>, window_params = [{transform_indices = #map}, {transform_indices = #map}, {transform_indices = #map}]} {
    %mul3A = arith.constant 2 : i32
    %mul3A_0 = arith.muli %arg1, %mul3A : i32
    %add3A = arith.addi %mul3A_0, %arg0 : i32
    "tpu.region"() ({
      %run_scoped3A = tpu.sem_alloc : memref<!tpu.dma_semaphore, #tpu.memory_space<semaphore_mem>>
      %dma_start3A_319 = arith.constant 0 : i32
      %dma_start3A_320 = tpu.memref_slice %arg3[%add3A, %dma_start3A_319] : memref<32x2048xi32, #tpu.memory_space<hbm>> -> memref<1x2048xi32, #tpu.memory_space<hbm>>
      %dma_start3A_321 = tpu.memref_squeeze %dma_start3A_320 : memref<1x2048xi32, #tpu.memory_space<hbm>> -> memref<2048xi32, #tpu.memory_space<hbm>>
      %dma_start3A_322 = arith.constant 0 : i32
      %dma_start3A_323 = tpu.memref_slice %arg3[%add3A, %dma_start3A_322] : memref<32x2048xi32, #tpu.memory_space<hbm>> -> memref<1x2048xi32, #tpu.memory_space<hbm>>
      %dma_start3A_324 = tpu.memref_squeeze %dma_start3A_323 : memref<1x2048xi32, #tpu.memory_space<hbm>> -> memref<2048xi32, #tpu.memory_space<hbm>>
      tpu.enqueue_dma source(%dma_start3A_324 : memref<2048xi32, #tpu.memory_space<hbm>>) target(%arg5 : memref<2048xi32, #tpu.memory_space<vmem>>) target_semaphore(%run_scoped3A : memref<!tpu.dma_semaphore, #tpu.memory_space<semaphore_mem>>)
      %dma_wait3A_325 = arith.constant 0 : i32
      %dma_wait3A_326 = tpu.memref_slice %arg3[%add3A, %dma_wait3A_325] : memref<32x2048xi32, #tpu.memory_space<hbm>> -> memref<1x2048xi32, #tpu.memory_space<hbm>>
      %dma_wait3A_327 = tpu.memref_squeeze %dma_wait3A_326 : memref<1x2048xi32, #tpu.memory_space<hbm>> -> memref<2048xi32, #tpu.memory_space<hbm>>
      %dma_wait3A_328 = arith.constant 0 : i32
      %dma_wait3A_329 = tpu.memref_slice %arg3[%add3A, %dma_wait3A_328] : memref<32x2048xi32, #tpu.memory_space<hbm>> -> memref<1x2048xi32, #tpu.memory_space<hbm>>
      %dma_wait3A_330 = tpu.memref_squeeze %dma_wait3A_329 : memref<1x2048xi32, #tpu.memory_space<hbm>> -> memref<2048xi32, #tpu.memory_space<hbm>>
      tpu.wait_dma2 semaphore(%run_scoped3A : memref<!tpu.dma_semaphore, #tpu.memory_space<semaphore_mem>>) src(%dma_wait3A_330 : memref<2048xi32, #tpu.memory_space<hbm>>) dst(%arg5 : memref<2048xi32, #tpu.memory_space<vmem>>)
      tpu.yield
    }) : () -> ()
    %dma_start3A = arith.constant 0 : i32
    %dma_start3A_1 = arith.constant 0 : i32
    %dma_start3A_2 = tpu.memref_slice %arg6[%dma_start3A, %dma_start3A_1] : memref<512x128xf32, #tpu.memory_space<vmem>> -> memref<128x128xf32, #tpu.memory_space<vmem>>
    %dma_start3A_3 = arith.constant 0 : i32
    %dma_start3A_4 = tpu.memref_slice %arg5[%dma_start3A_3] : memref<2048xi32, #tpu.memory_space<vmem>> -> memref<128xi32, #tpu.memory_space<vmem>>
    %dma_start3A_5 = arith.constant 0 : i32
    %dma_start3A_6 = arith.constant 0 : i32
    %dma_start3A_7 = tpu.memref_slice %arg2[%dma_start3A_5, %dma_start3A_6] : memref<500000x128xf32, #tpu.memory_space<hbm>> -> memref<500000x128xf32, #tpu.memory_space<hbm>>
    tpu.enqueue_indirect_dma source(%dma_start3A_7 : memref<500000x128xf32, #tpu.memory_space<hbm>>) target(%dma_start3A_2 : memref<128x128xf32, #tpu.memory_space<vmem>>) offsets(%dma_start3A_4 : memref<128xi32, #tpu.memory_space<vmem>>) semaphore(%arg7 : memref<!tpu.dma_semaphore, #tpu.memory_space<semaphore_mem>>)
    %dma_start3A_8 = arith.constant 128 : i32
    %dma_start3A_9 = arith.constant 0 : i32
    %dma_start3A_10 = tpu.memref_slice %arg6[%dma_start3A_8, %dma_start3A_9] : memref<512x128xf32, #tpu.memory_space<vmem>> -> memref<128x128xf32, #tpu.memory_space<vmem>>
    %dma_start3A_11 = arith.constant 128 : i32
    %dma_start3A_12 = tpu.memref_slice %arg5[%dma_start3A_11] : memref<2048xi32, #tpu.memory_space<vmem>> -> memref<128xi32, #tpu.memory_space<vmem>>
    %dma_start3A_13 = arith.constant 0 : i32
    %dma_start3A_14 = arith.constant 0 : i32
    %dma_start3A_15 = tpu.memref_slice %arg2[%dma_start3A_13, %dma_start3A_14] : memref<500000x128xf32, #tpu.memory_space<hbm>> -> memref<500000x128xf32, #tpu.memory_space<hbm>>
    tpu.enqueue_indirect_dma source(%dma_start3A_15 : memref<500000x128xf32, #tpu.memory_space<hbm>>) target(%dma_start3A_10 : memref<128x128xf32, #tpu.memory_space<vmem>>) offsets(%dma_start3A_12 : memref<128xi32, #tpu.memory_space<vmem>>) semaphore(%arg7 : memref<!tpu.dma_semaphore, #tpu.memory_space<semaphore_mem>>)
    %dma_start3A_16 = arith.constant 256 : i32
    %dma_start3A_17 = arith.constant 0 : i32
    %dma_start3A_18 = tpu.memref_slice %arg6[%dma_start3A_16, %dma_start3A_17] : memref<512x128xf32, #tpu.memory_space<vmem>> -> memref<128x128xf32, #tpu.memory_space<vmem>>
    %dma_start3A_19 = arith.constant 256 : i32
    %dma_start3A_20 = tpu.memref_slice %arg5[%dma_start3A_19] : memref<2048xi32, #tpu.memory_space<vmem>> -> memref<128xi32, #tpu.memory_space<vmem>>
    %dma_start3A_21 = arith.constant 0 : i32
    %dma_start3A_22 = arith.constant 0 : i32
    %dma_start3A_23 = tpu.memref_slice %arg2[%dma_start3A_21, %dma_start3A_22] : memref<500000x128xf32, #tpu.memory_space<hbm>> -> memref<500000x128xf32, #tpu.memory_space<hbm>>
    tpu.enqueue_indirect_dma source(%dma_start3A_23 : memref<500000x128xf32, #tpu.memory_space<hbm>>) target(%dma_start3A_18 : memref<128x128xf32, #tpu.memory_space<vmem>>) offsets(%dma_start3A_20 : memref<128xi32, #tpu.memory_space<vmem>>) semaphore(%arg7 : memref<!tpu.dma_semaphore, #tpu.memory_space<semaphore_mem>>)
    %dma_start3A_24 = arith.constant 384 : i32
    %dma_start3A_25 = arith.constant 0 : i32
    %dma_start3A_26 = tpu.memref_slice %arg6[%dma_start3A_24, %dma_start3A_25] : memref<512x128xf32, #tpu.memory_space<vmem>> -> memref<128x128xf32, #tpu.memory_space<vmem>>
    %dma_start3A_27 = arith.constant 384 : i32
    %dma_start3A_28 = tpu.memref_slice %arg5[%dma_start3A_27] : memref<2048xi32, #tpu.memory_space<vmem>> -> memref<128xi32, #tpu.memory_space<vmem>>
    %dma_start3A_29 = arith.constant 0 : i32
    %dma_start3A_30 = arith.constant 0 : i32
    %dma_start3A_31 = tpu.memref_slice %arg2[%dma_start3A_29, %dma_start3A_30] : memref<500000x128xf32, #tpu.memory_space<hbm>> -> memref<500000x128xf32, #tpu.memory_space<hbm>>
    tpu.enqueue_indirect_dma source(%dma_start3A_31 : memref<500000x128xf32, #tpu.memory_space<hbm>>) target(%dma_start3A_26 : memref<128x128xf32, #tpu.memory_space<vmem>>) offsets(%dma_start3A_28 : memref<128xi32, #tpu.memory_space<vmem>>) semaphore(%arg7 : memref<!tpu.dma_semaphore, #tpu.memory_space<semaphore_mem>>)
    %dma_wait3A = arith.constant 0 : i32
    %dma_wait3A_32 = arith.constant 0 : i32
    %dma_wait3A_33 = tpu.memref_slice %arg6[%dma_wait3A, %dma_wait3A_32] : memref<512x128xf32, #tpu.memory_space<vmem>> -> memref<128x128xf32, #tpu.memory_space<vmem>>
    %dma_wait3A_34 = arith.constant 0 : i32
    %dma_wait3A_35 = tpu.memref_slice %arg5[%dma_wait3A_34] : memref<2048xi32, #tpu.memory_space<vmem>> -> memref<128xi32, #tpu.memory_space<vmem>>
    %dma_wait3A_36 = arith.constant 0 : i32
    %dma_wait3A_37 = arith.constant 0 : i32
    %dma_wait3A_38 = tpu.memref_slice %arg2[%dma_wait3A_36, %dma_wait3A_37] : memref<500000x128xf32, #tpu.memory_space<hbm>> -> memref<500000x128xf32, #tpu.memory_space<hbm>>
    tpu.wait_indirect_dma semaphore(%arg7 : memref<!tpu.dma_semaphore, #tpu.memory_space<semaphore_mem>>) src(%dma_wait3A_38 : memref<500000x128xf32, #tpu.memory_space<hbm>>) dst(%dma_wait3A_33 : memref<128x128xf32, #tpu.memory_space<vmem>>)
    %dma_wait3A_39 = arith.constant 128 : i32
    %dma_wait3A_40 = arith.constant 0 : i32
    %dma_wait3A_41 = tpu.memref_slice %arg6[%dma_wait3A_39, %dma_wait3A_40] : memref<512x128xf32, #tpu.memory_space<vmem>> -> memref<128x128xf32, #tpu.memory_space<vmem>>
    %dma_wait3A_42 = arith.constant 128 : i32
    %dma_wait3A_43 = tpu.memref_slice %arg5[%dma_wait3A_42] : memref<2048xi32, #tpu.memory_space<vmem>> -> memref<128xi32, #tpu.memory_space<vmem>>
    %dma_wait3A_44 = arith.constant 0 : i32
    %dma_wait3A_45 = arith.constant 0 : i32
    %dma_wait3A_46 = tpu.memref_slice %arg2[%dma_wait3A_44, %dma_wait3A_45] : memref<500000x128xf32, #tpu.memory_space<hbm>> -> memref<500000x128xf32, #tpu.memory_space<hbm>>
    tpu.wait_indirect_dma semaphore(%arg7 : memref<!tpu.dma_semaphore, #tpu.memory_space<semaphore_mem>>) src(%dma_wait3A_46 : memref<500000x128xf32, #tpu.memory_space<hbm>>) dst(%dma_wait3A_41 : memref<128x128xf32, #tpu.memory_space<vmem>>)
    %dma_wait3A_47 = arith.constant 256 : i32
    %dma_wait3A_48 = arith.constant 0 : i32
    %dma_wait3A_49 = tpu.memref_slice %arg6[%dma_wait3A_47, %dma_wait3A_48] : memref<512x128xf32, #tpu.memory_space<vmem>> -> memref<128x128xf32, #tpu.memory_space<vmem>>
    %dma_wait3A_50 = arith.constant 256 : i32
    %dma_wait3A_51 = tpu.memref_slice %arg5[%dma_wait3A_50] : memref<2048xi32, #tpu.memory_space<vmem>> -> memref<128xi32, #tpu.memory_space<vmem>>
    %dma_wait3A_52 = arith.constant 0 : i32
    %dma_wait3A_53 = arith.constant 0 : i32
    %dma_wait3A_54 = tpu.memref_slice %arg2[%dma_wait3A_52, %dma_wait3A_53] : memref<500000x128xf32, #tpu.memory_space<hbm>> -> memref<500000x128xf32, #tpu.memory_space<hbm>>
    tpu.wait_indirect_dma semaphore(%arg7 : memref<!tpu.dma_semaphore, #tpu.memory_space<semaphore_mem>>) src(%dma_wait3A_54 : memref<500000x128xf32, #tpu.memory_space<hbm>>) dst(%dma_wait3A_49 : memref<128x128xf32, #tpu.memory_space<vmem>>)
    %dma_wait3A_55 = arith.constant 384 : i32
    %dma_wait3A_56 = arith.constant 0 : i32
    %dma_wait3A_57 = tpu.memref_slice %arg6[%dma_wait3A_55, %dma_wait3A_56] : memref<512x128xf32, #tpu.memory_space<vmem>> -> memref<128x128xf32, #tpu.memory_space<vmem>>
    %dma_wait3A_58 = arith.constant 384 : i32
    %dma_wait3A_59 = tpu.memref_slice %arg5[%dma_wait3A_58] : memref<2048xi32, #tpu.memory_space<vmem>> -> memref<128xi32, #tpu.memory_space<vmem>>
    %dma_wait3A_60 = arith.constant 0 : i32
    %dma_wait3A_61 = arith.constant 0 : i32
    %dma_wait3A_62 = tpu.memref_slice %arg2[%dma_wait3A_60, %dma_wait3A_61] : memref<500000x128xf32, #tpu.memory_space<hbm>> -> memref<500000x128xf32, #tpu.memory_space<hbm>>
    tpu.wait_indirect_dma semaphore(%arg7 : memref<!tpu.dma_semaphore, #tpu.memory_space<semaphore_mem>>) src(%dma_wait3A_62 : memref<500000x128xf32, #tpu.memory_space<hbm>>) dst(%dma_wait3A_57 : memref<128x128xf32, #tpu.memory_space<vmem>>)
    %mul3A_63 = arith.constant 2048 : i32
    %mul3A_64 = arith.muli %add3A, %mul3A_63 : i32
    %add3A_65 = arith.constant 0 : i32
    %add3A_66 = arith.addi %mul3A_64, %add3A_65 : i32
    "tpu.region"() ({
      %run_scoped3A = tpu.sem_alloc : memref<!tpu.dma_semaphore, #tpu.memory_space<semaphore_mem>>
      %dma_start3A_319 = arith.constant 0 : i32
      %dma_start3A_320 = arith.constant 0 : i32
      %dma_start3A_321 = tpu.memref_slice %arg6[%dma_start3A_319, %dma_start3A_320] : memref<512x128xf32, #tpu.memory_space<vmem>> -> memref<128x128xf32, #tpu.memory_space<vmem>>
      %dma_start3A_322 = arith.constant 0 : i32
      %dma_start3A_323 = tpu.memref_slice %arg4[%add3A_66, %dma_start3A_322] : memref<65536x128xf32, #tpu.memory_space<hbm>> -> memref<128x128xf32, #tpu.memory_space<hbm>>
      %dma_start3A_324 = arith.constant 0 : i32
      %dma_start3A_325 = tpu.memref_slice %arg4[%add3A_66, %dma_start3A_324] : memref<65536x128xf32, #tpu.memory_space<hbm>> -> memref<128x128xf32, #tpu.memory_space<hbm>>
      %dma_start3A_326 = arith.constant 0 : i32
      %dma_start3A_327 = arith.constant 0 : i32
      %dma_start3A_328 = tpu.memref_slice %arg6[%dma_start3A_326, %dma_start3A_327] : memref<512x128xf32, #tpu.memory_space<vmem>> -> memref<128x128xf32, #tpu.memory_space<vmem>>
      tpu.enqueue_dma source(%dma_start3A_328 : memref<128x128xf32, #tpu.memory_space<vmem>>) target(%dma_start3A_325 : memref<128x128xf32, #tpu.memory_space<hbm>>) target_semaphore(%run_scoped3A : memref<!tpu.dma_semaphore, #tpu.memory_space<semaphore_mem>>)
      %dma_wait3A_329 = arith.constant 0 : i32
      %dma_wait3A_330 = arith.constant 0 : i32
      %dma_wait3A_331 = tpu.memref_slice %arg6[%dma_wait3A_329, %dma_wait3A_330] : memref<512x128xf32, #tpu.memory_space<vmem>> -> memref<128x128xf32, #tpu.memory_space<vmem>>
      %dma_wait3A_332 = arith.constant 0 : i32
      %dma_wait3A_333 = tpu.memref_slice %arg4[%add3A_66, %dma_wait3A_332] : memref<65536x128xf32, #tpu.memory_space<hbm>> -> memref<128x128xf32, #tpu.memory_space<hbm>>
      %dma_wait3A_334 = arith.constant 0 : i32
      %dma_wait3A_335 = tpu.memref_slice %arg4[%add3A_66, %dma_wait3A_334] : memref<65536x128xf32, #tpu.memory_space<hbm>> -> memref<128x128xf32, #tpu.memory_space<hbm>>
      %dma_wait3A_336 = arith.constant 0 : i32
      %dma_wait3A_337 = arith.constant 0 : i32
      %dma_wait3A_338 = tpu.memref_slice %arg6[%dma_wait3A_336, %dma_wait3A_337] : memref<512x128xf32, #tpu.memory_space<vmem>> -> memref<128x128xf32, #tpu.memory_space<vmem>>
      tpu.wait_dma2 semaphore(%run_scoped3A : memref<!tpu.dma_semaphore, #tpu.memory_space<semaphore_mem>>) src(%dma_wait3A_338 : memref<128x128xf32, #tpu.memory_space<vmem>>) dst(%dma_wait3A_335 : memref<128x128xf32, #tpu.memory_space<hbm>>)
      tpu.yield
    }) : () -> ()
    %mul3A_67 = arith.constant 2048 : i32
    %mul3A_68 = arith.muli %add3A, %mul3A_67 : i32
    %add3A_69 = arith.constant 128 : i32
    %add3A_70 = arith.addi %mul3A_68, %add3A_69 : i32
    "tpu.region"() ({
      %run_scoped3A = tpu.sem_alloc : memref<!tpu.dma_semaphore, #tpu.memory_space<semaphore_mem>>
      %dma_start3A_319 = arith.constant 128 : i32
      %dma_start3A_320 = arith.constant 0 : i32
      %dma_start3A_321 = tpu.memref_slice %arg6[%dma_start3A_319, %dma_start3A_320] : memref<512x128xf32, #tpu.memory_space<vmem>> -> memref<128x128xf32, #tpu.memory_space<vmem>>
      %dma_start3A_322 = arith.constant 0 : i32
      %dma_start3A_323 = tpu.memref_slice %arg4[%add3A_70, %dma_start3A_322] : memref<65536x128xf32, #tpu.memory_space<hbm>> -> memref<128x128xf32, #tpu.memory_space<hbm>>
      %dma_start3A_324 = arith.constant 0 : i32
      %dma_start3A_325 = tpu.memref_slice %arg4[%add3A_70, %dma_start3A_324] : memref<65536x128xf32, #tpu.memory_space<hbm>> -> memref<128x128xf32, #tpu.memory_space<hbm>>
      %dma_start3A_326 = arith.constant 128 : i32
      %dma_start3A_327 = arith.constant 0 : i32
      %dma_start3A_328 = tpu.memref_slice %arg6[%dma_start3A_326, %dma_start3A_327] : memref<512x128xf32, #tpu.memory_space<vmem>> -> memref<128x128xf32, #tpu.memory_space<vmem>>
      tpu.enqueue_dma source(%dma_start3A_328 : memref<128x128xf32, #tpu.memory_space<vmem>>) target(%dma_start3A_325 : memref<128x128xf32, #tpu.memory_space<hbm>>) target_semaphore(%run_scoped3A : memref<!tpu.dma_semaphore, #tpu.memory_space<semaphore_mem>>)
      %dma_wait3A_329 = arith.constant 128 : i32
      %dma_wait3A_330 = arith.constant 0 : i32
      %dma_wait3A_331 = tpu.memref_slice %arg6[%dma_wait3A_329, %dma_wait3A_330] : memref<512x128xf32, #tpu.memory_space<vmem>> -> memref<128x128xf32, #tpu.memory_space<vmem>>
      %dma_wait3A_332 = arith.constant 0 : i32
      %dma_wait3A_333 = tpu.memref_slice %arg4[%add3A_70, %dma_wait3A_332] : memref<65536x128xf32, #tpu.memory_space<hbm>> -> memref<128x128xf32, #tpu.memory_space<hbm>>
      %dma_wait3A_334 = arith.constant 0 : i32
      %dma_wait3A_335 = tpu.memref_slice %arg4[%add3A_70, %dma_wait3A_334] : memref<65536x128xf32, #tpu.memory_space<hbm>> -> memref<128x128xf32, #tpu.memory_space<hbm>>
      %dma_wait3A_336 = arith.constant 128 : i32
      %dma_wait3A_337 = arith.constant 0 : i32
      %dma_wait3A_338 = tpu.memref_slice %arg6[%dma_wait3A_336, %dma_wait3A_337] : memref<512x128xf32, #tpu.memory_space<vmem>> -> memref<128x128xf32, #tpu.memory_space<vmem>>
      tpu.wait_dma2 semaphore(%run_scoped3A : memref<!tpu.dma_semaphore, #tpu.memory_space<semaphore_mem>>) src(%dma_wait3A_338 : memref<128x128xf32, #tpu.memory_space<vmem>>) dst(%dma_wait3A_335 : memref<128x128xf32, #tpu.memory_space<hbm>>)
      tpu.yield
    }) : () -> ()
    %mul3A_71 = arith.constant 2048 : i32
    %mul3A_72 = arith.muli %add3A, %mul3A_71 : i32
    %add3A_73 = arith.constant 256 : i32
    %add3A_74 = arith.addi %mul3A_72, %add3A_73 : i32
    "tpu.region"() ({
      %run_scoped3A = tpu.sem_alloc : memref<!tpu.dma_semaphore, #tpu.memory_space<semaphore_mem>>
      %dma_start3A_319 = arith.constant 256 : i32
      %dma_start3A_320 = arith.constant 0 : i32
      %dma_start3A_321 = tpu.memref_slice %arg6[%dma_start3A_319, %dma_start3A_320] : memref<512x128xf32, #tpu.memory_space<vmem>> -> memref<128x128xf32, #tpu.memory_space<vmem>>
      %dma_start3A_322 = arith.constant 0 : i32
      %dma_start3A_323 = tpu.memref_slice %arg4[%add3A_74, %dma_start3A_322] : memref<65536x128xf32, #tpu.memory_space<hbm>> -> memref<128x128xf32, #tpu.memory_space<hbm>>
      %dma_start3A_324 = arith.constant 0 : i32
      %dma_start3A_325 = tpu.memref_slice %arg4[%add3A_74, %dma_start3A_324] : memref<65536x128xf32, #tpu.memory_space<hbm>> -> memref<128x128xf32, #tpu.memory_space<hbm>>
      %dma_start3A_326 = arith.constant 256 : i32
      %dma_start3A_327 = arith.constant 0 : i32
      %dma_start3A_328 = tpu.memref_slice %arg6[%dma_start3A_326, %dma_start3A_327] : memref<512x128xf32, #tpu.memory_space<vmem>> -> memref<128x128xf32, #tpu.memory_space<vmem>>
      tpu.enqueue_dma source(%dma_start3A_328 : memref<128x128xf32, #tpu.memory_space<vmem>>) target(%dma_start3A_325 : memref<128x128xf32, #tpu.memory_space<hbm>>) target_semaphore(%run_scoped3A : memref<!tpu.dma_semaphore, #tpu.memory_space<semaphore_mem>>)
      %dma_wait3A_329 = arith.constant 256 : i32
      %dma_wait3A_330 = arith.constant 0 : i32
      %dma_wait3A_331 = tpu.memref_slice %arg6[%dma_wait3A_329, %dma_wait3A_330] : memref<512x128xf32, #tpu.memory_space<vmem>> -> memref<128x128xf32, #tpu.memory_space<vmem>>
      %dma_wait3A_332 = arith.constant 0 : i32
      %dma_wait3A_333 = tpu.memref_slice %arg4[%add3A_74, %dma_wait3A_332] : memref<65536x128xf32, #tpu.memory_space<hbm>> -> memref<128x128xf32, #tpu.memory_space<hbm>>
      %dma_wait3A_334 = arith.constant 0 : i32
      %dma_wait3A_335 = tpu.memref_slice %arg4[%add3A_74, %dma_wait3A_334] : memref<65536x128xf32, #tpu.memory_space<hbm>> -> memref<128x128xf32, #tpu.memory_space<hbm>>
      %dma_wait3A_336 = arith.constant 256 : i32
      %dma_wait3A_337 = arith.constant 0 : i32
      %dma_wait3A_338 = tpu.memref_slice %arg6[%dma_wait3A_336, %dma_wait3A_337] : memref<512x128xf32, #tpu.memory_space<vmem>> -> memref<128x128xf32, #tpu.memory_space<vmem>>
      tpu.wait_dma2 semaphore(%run_scoped3A : memref<!tpu.dma_semaphore, #tpu.memory_space<semaphore_mem>>) src(%dma_wait3A_338 : memref<128x128xf32, #tpu.memory_space<vmem>>) dst(%dma_wait3A_335 : memref<128x128xf32, #tpu.memory_space<hbm>>)
      tpu.yield
    }) : () -> ()
    %mul3A_75 = arith.constant 2048 : i32
    %mul3A_76 = arith.muli %add3A, %mul3A_75 : i32
    %add3A_77 = arith.constant 384 : i32
    %add3A_78 = arith.addi %mul3A_76, %add3A_77 : i32
    "tpu.region"() ({
      %run_scoped3A = tpu.sem_alloc : memref<!tpu.dma_semaphore, #tpu.memory_space<semaphore_mem>>
      %dma_start3A_319 = arith.constant 384 : i32
      %dma_start3A_320 = arith.constant 0 : i32
      %dma_start3A_321 = tpu.memref_slice %arg6[%dma_start3A_319, %dma_start3A_320] : memref<512x128xf32, #tpu.memory_space<vmem>> -> memref<128x128xf32, #tpu.memory_space<vmem>>
      %dma_start3A_322 = arith.constant 0 : i32
      %dma_start3A_323 = tpu.memref_slice %arg4[%add3A_78, %dma_start3A_322] : memref<65536x128xf32, #tpu.memory_space<hbm>> -> memref<128x128xf32, #tpu.memory_space<hbm>>
      %dma_start3A_324 = arith.constant 0 : i32
      %dma_start3A_325 = tpu.memref_slice %arg4[%add3A_78, %dma_start3A_324] : memref<65536x128xf32, #tpu.memory_space<hbm>> -> memref<128x128xf32, #tpu.memory_space<hbm>>
      %dma_start3A_326 = arith.constant 384 : i32
      %dma_start3A_327 = arith.constant 0 : i32
      %dma_start3A_328 = tpu.memref_slice %arg6[%dma_start3A_326, %dma_start3A_327] : memref<512x128xf32, #tpu.memory_space<vmem>> -> memref<128x128xf32, #tpu.memory_space<vmem>>
      tpu.enqueue_dma source(%dma_start3A_328 : memref<128x128xf32, #tpu.memory_space<vmem>>) target(%dma_start3A_325 : memref<128x128xf32, #tpu.memory_space<hbm>>) target_semaphore(%run_scoped3A : memref<!tpu.dma_semaphore, #tpu.memory_space<semaphore_mem>>)
      %dma_wait3A_329 = arith.constant 384 : i32
      %dma_wait3A_330 = arith.constant 0 : i32
      %dma_wait3A_331 = tpu.memref_slice %arg6[%dma_wait3A_329, %dma_wait3A_330] : memref<512x128xf32, #tpu.memory_space<vmem>> -> memref<128x128xf32, #tpu.memory_space<vmem>>
      %dma_wait3A_332 = arith.constant 0 : i32
      %dma_wait3A_333 = tpu.memref_slice %arg4[%add3A_78, %dma_wait3A_332] : memref<65536x128xf32, #tpu.memory_space<hbm>> -> memref<128x128xf32, #tpu.memory_space<hbm>>
      %dma_wait3A_334 = arith.constant 0 : i32
      %dma_wait3A_335 = tpu.memref_slice %arg4[%add3A_78, %dma_wait3A_334] : memref<65536x128xf32, #tpu.memory_space<hbm>> -> memref<128x128xf32, #tpu.memory_space<hbm>>
      %dma_wait3A_336 = arith.constant 384 : i32
      %dma_wait3A_337 = arith.constant 0 : i32
      %dma_wait3A_338 = tpu.memref_slice %arg6[%dma_wait3A_336, %dma_wait3A_337] : memref<512x128xf32, #tpu.memory_space<vmem>> -> memref<128x128xf32, #tpu.memory_space<vmem>>
      tpu.wait_dma2 semaphore(%run_scoped3A : memref<!tpu.dma_semaphore, #tpu.memory_space<semaphore_mem>>) src(%dma_wait3A_338 : memref<128x128xf32, #tpu.memory_space<vmem>>) dst(%dma_wait3A_335 : memref<128x128xf32, #tpu.memory_space<hbm>>)
      tpu.yield
    }) : () -> ()
    %dma_start3A_79 = arith.constant 0 : i32
    %dma_start3A_80 = arith.constant 0 : i32
    %dma_start3A_81 = tpu.memref_slice %arg6[%dma_start3A_79, %dma_start3A_80] : memref<512x128xf32, #tpu.memory_space<vmem>> -> memref<128x128xf32, #tpu.memory_space<vmem>>
    %dma_start3A_82 = arith.constant 512 : i32
    %dma_start3A_83 = tpu.memref_slice %arg5[%dma_start3A_82] : memref<2048xi32, #tpu.memory_space<vmem>> -> memref<128xi32, #tpu.memory_space<vmem>>
    %dma_start3A_84 = arith.constant 0 : i32
    %dma_start3A_85 = arith.constant 0 : i32
    %dma_start3A_86 = tpu.memref_slice %arg2[%dma_start3A_84, %dma_start3A_85] : memref<500000x128xf32, #tpu.memory_space<hbm>> -> memref<500000x128xf32, #tpu.memory_space<hbm>>
    tpu.enqueue_indirect_dma source(%dma_start3A_86 : memref<500000x128xf32, #tpu.memory_space<hbm>>) target(%dma_start3A_81 : memref<128x128xf32, #tpu.memory_space<vmem>>) offsets(%dma_start3A_83 : memref<128xi32, #tpu.memory_space<vmem>>) semaphore(%arg7 : memref<!tpu.dma_semaphore, #tpu.memory_space<semaphore_mem>>)
    %dma_start3A_87 = arith.constant 128 : i32
    %dma_start3A_88 = arith.constant 0 : i32
    %dma_start3A_89 = tpu.memref_slice %arg6[%dma_start3A_87, %dma_start3A_88] : memref<512x128xf32, #tpu.memory_space<vmem>> -> memref<128x128xf32, #tpu.memory_space<vmem>>
    %dma_start3A_90 = arith.constant 640 : i32
    %dma_start3A_91 = tpu.memref_slice %arg5[%dma_start3A_90] : memref<2048xi32, #tpu.memory_space<vmem>> -> memref<128xi32, #tpu.memory_space<vmem>>
    %dma_start3A_92 = arith.constant 0 : i32
    %dma_start3A_93 = arith.constant 0 : i32
    %dma_start3A_94 = tpu.memref_slice %arg2[%dma_start3A_92, %dma_start3A_93] : memref<500000x128xf32, #tpu.memory_space<hbm>> -> memref<500000x128xf32, #tpu.memory_space<hbm>>
    tpu.enqueue_indirect_dma source(%dma_start3A_94 : memref<500000x128xf32, #tpu.memory_space<hbm>>) target(%dma_start3A_89 : memref<128x128xf32, #tpu.memory_space<vmem>>) offsets(%dma_start3A_91 : memref<128xi32, #tpu.memory_space<vmem>>) semaphore(%arg7 : memref<!tpu.dma_semaphore, #tpu.memory_space<semaphore_mem>>)
    %dma_start3A_95 = arith.constant 256 : i32
    %dma_start3A_96 = arith.constant 0 : i32
    %dma_start3A_97 = tpu.memref_slice %arg6[%dma_start3A_95, %dma_start3A_96] : memref<512x128xf32, #tpu.memory_space<vmem>> -> memref<128x128xf32, #tpu.memory_space<vmem>>
    %dma_start3A_98 = arith.constant 768 : i32
    %dma_start3A_99 = tpu.memref_slice %arg5[%dma_start3A_98] : memref<2048xi32, #tpu.memory_space<vmem>> -> memref<128xi32, #tpu.memory_space<vmem>>
    %dma_start3A_100 = arith.constant 0 : i32
    %dma_start3A_101 = arith.constant 0 : i32
    %dma_start3A_102 = tpu.memref_slice %arg2[%dma_start3A_100, %dma_start3A_101] : memref<500000x128xf32, #tpu.memory_space<hbm>> -> memref<500000x128xf32, #tpu.memory_space<hbm>>
    tpu.enqueue_indirect_dma source(%dma_start3A_102 : memref<500000x128xf32, #tpu.memory_space<hbm>>) target(%dma_start3A_97 : memref<128x128xf32, #tpu.memory_space<vmem>>) offsets(%dma_start3A_99 : memref<128xi32, #tpu.memory_space<vmem>>) semaphore(%arg7 : memref<!tpu.dma_semaphore, #tpu.memory_space<semaphore_mem>>)
    %dma_start3A_103 = arith.constant 384 : i32
    %dma_start3A_104 = arith.constant 0 : i32
    %dma_start3A_105 = tpu.memref_slice %arg6[%dma_start3A_103, %dma_start3A_104] : memref<512x128xf32, #tpu.memory_space<vmem>> -> memref<128x128xf32, #tpu.memory_space<vmem>>
    %dma_start3A_106 = arith.constant 896 : i32
    %dma_start3A_107 = tpu.memref_slice %arg5[%dma_start3A_106] : memref<2048xi32, #tpu.memory_space<vmem>> -> memref<128xi32, #tpu.memory_space<vmem>>
    %dma_start3A_108 = arith.constant 0 : i32
    %dma_start3A_109 = arith.constant 0 : i32
    %dma_start3A_110 = tpu.memref_slice %arg2[%dma_start3A_108, %dma_start3A_109] : memref<500000x128xf32, #tpu.memory_space<hbm>> -> memref<500000x128xf32, #tpu.memory_space<hbm>>
    tpu.enqueue_indirect_dma source(%dma_start3A_110 : memref<500000x128xf32, #tpu.memory_space<hbm>>) target(%dma_start3A_105 : memref<128x128xf32, #tpu.memory_space<vmem>>) offsets(%dma_start3A_107 : memref<128xi32, #tpu.memory_space<vmem>>) semaphore(%arg7 : memref<!tpu.dma_semaphore, #tpu.memory_space<semaphore_mem>>)
    %dma_wait3A_111 = arith.constant 0 : i32
    %dma_wait3A_112 = arith.constant 0 : i32
    %dma_wait3A_113 = tpu.memref_slice %arg6[%dma_wait3A_111, %dma_wait3A_112] : memref<512x128xf32, #tpu.memory_space<vmem>> -> memref<128x128xf32, #tpu.memory_space<vmem>>
    %dma_wait3A_114 = arith.constant 512 : i32
    %dma_wait3A_115 = tpu.memref_slice %arg5[%dma_wait3A_114] : memref<2048xi32, #tpu.memory_space<vmem>> -> memref<128xi32, #tpu.memory_space<vmem>>
    %dma_wait3A_116 = arith.constant 0 : i32
    %dma_wait3A_117 = arith.constant 0 : i32
    %dma_wait3A_118 = tpu.memref_slice %arg2[%dma_wait3A_116, %dma_wait3A_117] : memref<500000x128xf32, #tpu.memory_space<hbm>> -> memref<500000x128xf32, #tpu.memory_space<hbm>>
    tpu.wait_indirect_dma semaphore(%arg7 : memref<!tpu.dma_semaphore, #tpu.memory_space<semaphore_mem>>) src(%dma_wait3A_118 : memref<500000x128xf32, #tpu.memory_space<hbm>>) dst(%dma_wait3A_113 : memref<128x128xf32, #tpu.memory_space<vmem>>)
    %dma_wait3A_119 = arith.constant 128 : i32
    %dma_wait3A_120 = arith.constant 0 : i32
    %dma_wait3A_121 = tpu.memref_slice %arg6[%dma_wait3A_119, %dma_wait3A_120] : memref<512x128xf32, #tpu.memory_space<vmem>> -> memref<128x128xf32, #tpu.memory_space<vmem>>
    %dma_wait3A_122 = arith.constant 640 : i32
    %dma_wait3A_123 = tpu.memref_slice %arg5[%dma_wait3A_122] : memref<2048xi32, #tpu.memory_space<vmem>> -> memref<128xi32, #tpu.memory_space<vmem>>
    %dma_wait3A_124 = arith.constant 0 : i32
    %dma_wait3A_125 = arith.constant 0 : i32
    %dma_wait3A_126 = tpu.memref_slice %arg2[%dma_wait3A_124, %dma_wait3A_125] : memref<500000x128xf32, #tpu.memory_space<hbm>> -> memref<500000x128xf32, #tpu.memory_space<hbm>>
    tpu.wait_indirect_dma semaphore(%arg7 : memref<!tpu.dma_semaphore, #tpu.memory_space<semaphore_mem>>) src(%dma_wait3A_126 : memref<500000x128xf32, #tpu.memory_space<hbm>>) dst(%dma_wait3A_121 : memref<128x128xf32, #tpu.memory_space<vmem>>)
    %dma_wait3A_127 = arith.constant 256 : i32
    %dma_wait3A_128 = arith.constant 0 : i32
    %dma_wait3A_129 = tpu.memref_slice %arg6[%dma_wait3A_127, %dma_wait3A_128] : memref<512x128xf32, #tpu.memory_space<vmem>> -> memref<128x128xf32, #tpu.memory_space<vmem>>
    %dma_wait3A_130 = arith.constant 768 : i32
    %dma_wait3A_131 = tpu.memref_slice %arg5[%dma_wait3A_130] : memref<2048xi32, #tpu.memory_space<vmem>> -> memref<128xi32, #tpu.memory_space<vmem>>
    %dma_wait3A_132 = arith.constant 0 : i32
    %dma_wait3A_133 = arith.constant 0 : i32
    %dma_wait3A_134 = tpu.memref_slice %arg2[%dma_wait3A_132, %dma_wait3A_133] : memref<500000x128xf32, #tpu.memory_space<hbm>> -> memref<500000x128xf32, #tpu.memory_space<hbm>>
    tpu.wait_indirect_dma semaphore(%arg7 : memref<!tpu.dma_semaphore, #tpu.memory_space<semaphore_mem>>) src(%dma_wait3A_134 : memref<500000x128xf32, #tpu.memory_space<hbm>>) dst(%dma_wait3A_129 : memref<128x128xf32, #tpu.memory_space<vmem>>)
    %dma_wait3A_135 = arith.constant 384 : i32
    %dma_wait3A_136 = arith.constant 0 : i32
    %dma_wait3A_137 = tpu.memref_slice %arg6[%dma_wait3A_135, %dma_wait3A_136] : memref<512x128xf32, #tpu.memory_space<vmem>> -> memref<128x128xf32, #tpu.memory_space<vmem>>
    %dma_wait3A_138 = arith.constant 896 : i32
    %dma_wait3A_139 = tpu.memref_slice %arg5[%dma_wait3A_138] : memref<2048xi32, #tpu.memory_space<vmem>> -> memref<128xi32, #tpu.memory_space<vmem>>
    %dma_wait3A_140 = arith.constant 0 : i32
    %dma_wait3A_141 = arith.constant 0 : i32
    %dma_wait3A_142 = tpu.memref_slice %arg2[%dma_wait3A_140, %dma_wait3A_141] : memref<500000x128xf32, #tpu.memory_space<hbm>> -> memref<500000x128xf32, #tpu.memory_space<hbm>>
    tpu.wait_indirect_dma semaphore(%arg7 : memref<!tpu.dma_semaphore, #tpu.memory_space<semaphore_mem>>) src(%dma_wait3A_142 : memref<500000x128xf32, #tpu.memory_space<hbm>>) dst(%dma_wait3A_137 : memref<128x128xf32, #tpu.memory_space<vmem>>)
    %mul3A_143 = arith.constant 2048 : i32
    %mul3A_144 = arith.muli %add3A, %mul3A_143 : i32
    %add3A_145 = arith.constant 512 : i32
    %add3A_146 = arith.addi %mul3A_144, %add3A_145 : i32
    "tpu.region"() ({
      %run_scoped3A = tpu.sem_alloc : memref<!tpu.dma_semaphore, #tpu.memory_space<semaphore_mem>>
      %dma_start3A_319 = arith.constant 0 : i32
      %dma_start3A_320 = arith.constant 0 : i32
      %dma_start3A_321 = tpu.memref_slice %arg6[%dma_start3A_319, %dma_start3A_320] : memref<512x128xf32, #tpu.memory_space<vmem>> -> memref<128x128xf32, #tpu.memory_space<vmem>>
      %dma_start3A_322 = arith.constant 0 : i32
      %dma_start3A_323 = tpu.memref_slice %arg4[%add3A_146, %dma_start3A_322] : memref<65536x128xf32, #tpu.memory_space<hbm>> -> memref<128x128xf32, #tpu.memory_space<hbm>>
      %dma_start3A_324 = arith.constant 0 : i32
      %dma_start3A_325 = tpu.memref_slice %arg4[%add3A_146, %dma_start3A_324] : memref<65536x128xf32, #tpu.memory_space<hbm>> -> memref<128x128xf32, #tpu.memory_space<hbm>>
      %dma_start3A_326 = arith.constant 0 : i32
      %dma_start3A_327 = arith.constant 0 : i32
      %dma_start3A_328 = tpu.memref_slice %arg6[%dma_start3A_326, %dma_start3A_327] : memref<512x128xf32, #tpu.memory_space<vmem>> -> memref<128x128xf32, #tpu.memory_space<vmem>>
      tpu.enqueue_dma source(%dma_start3A_328 : memref<128x128xf32, #tpu.memory_space<vmem>>) target(%dma_start3A_325 : memref<128x128xf32, #tpu.memory_space<hbm>>) target_semaphore(%run_scoped3A : memref<!tpu.dma_semaphore, #tpu.memory_space<semaphore_mem>>)
      %dma_wait3A_329 = arith.constant 0 : i32
      %dma_wait3A_330 = arith.constant 0 : i32
      %dma_wait3A_331 = tpu.memref_slice %arg6[%dma_wait3A_329, %dma_wait3A_330] : memref<512x128xf32, #tpu.memory_space<vmem>> -> memref<128x128xf32, #tpu.memory_space<vmem>>
      %dma_wait3A_332 = arith.constant 0 : i32
      %dma_wait3A_333 = tpu.memref_slice %arg4[%add3A_146, %dma_wait3A_332] : memref<65536x128xf32, #tpu.memory_space<hbm>> -> memref<128x128xf32, #tpu.memory_space<hbm>>
      %dma_wait3A_334 = arith.constant 0 : i32
      %dma_wait3A_335 = tpu.memref_slice %arg4[%add3A_146, %dma_wait3A_334] : memref<65536x128xf32, #tpu.memory_space<hbm>> -> memref<128x128xf32, #tpu.memory_space<hbm>>
      %dma_wait3A_336 = arith.constant 0 : i32
      %dma_wait3A_337 = arith.constant 0 : i32
      %dma_wait3A_338 = tpu.memref_slice %arg6[%dma_wait3A_336, %dma_wait3A_337] : memref<512x128xf32, #tpu.memory_space<vmem>> -> memref<128x128xf32, #tpu.memory_space<vmem>>
      tpu.wait_dma2 semaphore(%run_scoped3A : memref<!tpu.dma_semaphore, #tpu.memory_space<semaphore_mem>>) src(%dma_wait3A_338 : memref<128x128xf32, #tpu.memory_space<vmem>>) dst(%dma_wait3A_335 : memref<128x128xf32, #tpu.memory_space<hbm>>)
      tpu.yield
    }) : () -> ()
    %mul3A_147 = arith.constant 2048 : i32
    %mul3A_148 = arith.muli %add3A, %mul3A_147 : i32
    %add3A_149 = arith.constant 640 : i32
    %add3A_150 = arith.addi %mul3A_148, %add3A_149 : i32
    "tpu.region"() ({
      %run_scoped3A = tpu.sem_alloc : memref<!tpu.dma_semaphore, #tpu.memory_space<semaphore_mem>>
      %dma_start3A_319 = arith.constant 128 : i32
      %dma_start3A_320 = arith.constant 0 : i32
      %dma_start3A_321 = tpu.memref_slice %arg6[%dma_start3A_319, %dma_start3A_320] : memref<512x128xf32, #tpu.memory_space<vmem>> -> memref<128x128xf32, #tpu.memory_space<vmem>>
      %dma_start3A_322 = arith.constant 0 : i32
      %dma_start3A_323 = tpu.memref_slice %arg4[%add3A_150, %dma_start3A_322] : memref<65536x128xf32, #tpu.memory_space<hbm>> -> memref<128x128xf32, #tpu.memory_space<hbm>>
      %dma_start3A_324 = arith.constant 0 : i32
      %dma_start3A_325 = tpu.memref_slice %arg4[%add3A_150, %dma_start3A_324] : memref<65536x128xf32, #tpu.memory_space<hbm>> -> memref<128x128xf32, #tpu.memory_space<hbm>>
      %dma_start3A_326 = arith.constant 128 : i32
      %dma_start3A_327 = arith.constant 0 : i32
      %dma_start3A_328 = tpu.memref_slice %arg6[%dma_start3A_326, %dma_start3A_327] : memref<512x128xf32, #tpu.memory_space<vmem>> -> memref<128x128xf32, #tpu.memory_space<vmem>>
      tpu.enqueue_dma source(%dma_start3A_328 : memref<128x128xf32, #tpu.memory_space<vmem>>) target(%dma_start3A_325 : memref<128x128xf32, #tpu.memory_space<hbm>>) target_semaphore(%run_scoped3A : memref<!tpu.dma_semaphore, #tpu.memory_space<semaphore_mem>>)
      %dma_wait3A_329 = arith.constant 128 : i32
      %dma_wait3A_330 = arith.constant 0 : i32
      %dma_wait3A_331 = tpu.memref_slice %arg6[%dma_wait3A_329, %dma_wait3A_330] : memref<512x128xf32, #tpu.memory_space<vmem>> -> memref<128x128xf32, #tpu.memory_space<vmem>>
      %dma_wait3A_332 = arith.constant 0 : i32
      %dma_wait3A_333 = tpu.memref_slice %arg4[%add3A_150, %dma_wait3A_332] : memref<65536x128xf32, #tpu.memory_space<hbm>> -> memref<128x128xf32, #tpu.memory_space<hbm>>
      %dma_wait3A_334 = arith.constant 0 : i32
      %dma_wait3A_335 = tpu.memref_slice %arg4[%add3A_150, %dma_wait3A_334] : memref<65536x128xf32, #tpu.memory_space<hbm>> -> memref<128x128xf32, #tpu.memory_space<hbm>>
      %dma_wait3A_336 = arith.constant 128 : i32
      %dma_wait3A_337 = arith.constant 0 : i32
      %dma_wait3A_338 = tpu.memref_slice %arg6[%dma_wait3A_336, %dma_wait3A_337] : memref<512x128xf32, #tpu.memory_space<vmem>> -> memref<128x128xf32, #tpu.memory_space<vmem>>
      tpu.wait_dma2 semaphore(%run_scoped3A : memref<!tpu.dma_semaphore, #tpu.memory_space<semaphore_mem>>) src(%dma_wait3A_338 : memref<128x128xf32, #tpu.memory_space<vmem>>) dst(%dma_wait3A_335 : memref<128x128xf32, #tpu.memory_space<hbm>>)
      tpu.yield
    }) : () -> ()
    %mul3A_151 = arith.constant 2048 : i32
    %mul3A_152 = arith.muli %add3A, %mul3A_151 : i32
    %add3A_153 = arith.constant 768 : i32
    %add3A_154 = arith.addi %mul3A_152, %add3A_153 : i32
    "tpu.region"() ({
      %run_scoped3A = tpu.sem_alloc : memref<!tpu.dma_semaphore, #tpu.memory_space<semaphore_mem>>
      %dma_start3A_319 = arith.constant 256 : i32
      %dma_start3A_320 = arith.constant 0 : i32
      %dma_start3A_321 = tpu.memref_slice %arg6[%dma_start3A_319, %dma_start3A_320] : memref<512x128xf32, #tpu.memory_space<vmem>> -> memref<128x128xf32, #tpu.memory_space<vmem>>
      %dma_start3A_322 = arith.constant 0 : i32
      %dma_start3A_323 = tpu.memref_slice %arg4[%add3A_154, %dma_start3A_322] : memref<65536x128xf32, #tpu.memory_space<hbm>> -> memref<128x128xf32, #tpu.memory_space<hbm>>
      %dma_start3A_324 = arith.constant 0 : i32
      %dma_start3A_325 = tpu.memref_slice %arg4[%add3A_154, %dma_start3A_324] : memref<65536x128xf32, #tpu.memory_space<hbm>> -> memref<128x128xf32, #tpu.memory_space<hbm>>
      %dma_start3A_326 = arith.constant 256 : i32
      %dma_start3A_327 = arith.constant 0 : i32
      %dma_start3A_328 = tpu.memref_slice %arg6[%dma_start3A_326, %dma_start3A_327] : memref<512x128xf32, #tpu.memory_space<vmem>> -> memref<128x128xf32, #tpu.memory_space<vmem>>
      tpu.enqueue_dma source(%dma_start3A_328 : memref<128x128xf32, #tpu.memory_space<vmem>>) target(%dma_start3A_325 : memref<128x128xf32, #tpu.memory_space<hbm>>) target_semaphore(%run_scoped3A : memref<!tpu.dma_semaphore, #tpu.memory_space<semaphore_mem>>)
      %dma_wait3A_329 = arith.constant 256 : i32
      %dma_wait3A_330 = arith.constant 0 : i32
      %dma_wait3A_331 = tpu.memref_slice %arg6[%dma_wait3A_329, %dma_wait3A_330] : memref<512x128xf32, #tpu.memory_space<vmem>> -> memref<128x128xf32, #tpu.memory_space<vmem>>
      %dma_wait3A_332 = arith.constant 0 : i32
      %dma_wait3A_333 = tpu.memref_slice %arg4[%add3A_154, %dma_wait3A_332] : memref<65536x128xf32, #tpu.memory_space<hbm>> -> memref<128x128xf32, #tpu.memory_space<hbm>>
      %dma_wait3A_334 = arith.constant 0 : i32
      %dma_wait3A_335 = tpu.memref_slice %arg4[%add3A_154, %dma_wait3A_334] : memref<65536x128xf32, #tpu.memory_space<hbm>> -> memref<128x128xf32, #tpu.memory_space<hbm>>
      %dma_wait3A_336 = arith.constant 256 : i32
      %dma_wait3A_337 = arith.constant 0 : i32
      %dma_wait3A_338 = tpu.memref_slice %arg6[%dma_wait3A_336, %dma_wait3A_337] : memref<512x128xf32, #tpu.memory_space<vmem>> -> memref<128x128xf32, #tpu.memory_space<vmem>>
      tpu.wait_dma2 semaphore(%run_scoped3A : memref<!tpu.dma_semaphore, #tpu.memory_space<semaphore_mem>>) src(%dma_wait3A_338 : memref<128x128xf32, #tpu.memory_space<vmem>>) dst(%dma_wait3A_335 : memref<128x128xf32, #tpu.memory_space<hbm>>)
      tpu.yield
    }) : () -> ()
    %mul3A_155 = arith.constant 2048 : i32
    %mul3A_156 = arith.muli %add3A, %mul3A_155 : i32
    %add3A_157 = arith.constant 896 : i32
    %add3A_158 = arith.addi %mul3A_156, %add3A_157 : i32
    "tpu.region"() ({
      %run_scoped3A = tpu.sem_alloc : memref<!tpu.dma_semaphore, #tpu.memory_space<semaphore_mem>>
      %dma_start3A_319 = arith.constant 384 : i32
      %dma_start3A_320 = arith.constant 0 : i32
      %dma_start3A_321 = tpu.memref_slice %arg6[%dma_start3A_319, %dma_start3A_320] : memref<512x128xf32, #tpu.memory_space<vmem>> -> memref<128x128xf32, #tpu.memory_space<vmem>>
      %dma_start3A_322 = arith.constant 0 : i32
      %dma_start3A_323 = tpu.memref_slice %arg4[%add3A_158, %dma_start3A_322] : memref<65536x128xf32, #tpu.memory_space<hbm>> -> memref<128x128xf32, #tpu.memory_space<hbm>>
      %dma_start3A_324 = arith.constant 0 : i32
      %dma_start3A_325 = tpu.memref_slice %arg4[%add3A_158, %dma_start3A_324] : memref<65536x128xf32, #tpu.memory_space<hbm>> -> memref<128x128xf32, #tpu.memory_space<hbm>>
      %dma_start3A_326 = arith.constant 384 : i32
      %dma_start3A_327 = arith.constant 0 : i32
      %dma_start3A_328 = tpu.memref_slice %arg6[%dma_start3A_326, %dma_start3A_327] : memref<512x128xf32, #tpu.memory_space<vmem>> -> memref<128x128xf32, #tpu.memory_space<vmem>>
      tpu.enqueue_dma source(%dma_start3A_328 : memref<128x128xf32, #tpu.memory_space<vmem>>) target(%dma_start3A_325 : memref<128x128xf32, #tpu.memory_space<hbm>>) target_semaphore(%run_scoped3A : memref<!tpu.dma_semaphore, #tpu.memory_space<semaphore_mem>>)
      %dma_wait3A_329 = arith.constant 384 : i32
      %dma_wait3A_330 = arith.constant 0 : i32
      %dma_wait3A_331 = tpu.memref_slice %arg6[%dma_wait3A_329, %dma_wait3A_330] : memref<512x128xf32, #tpu.memory_space<vmem>> -> memref<128x128xf32, #tpu.memory_space<vmem>>
      %dma_wait3A_332 = arith.constant 0 : i32
      %dma_wait3A_333 = tpu.memref_slice %arg4[%add3A_158, %dma_wait3A_332] : memref<65536x128xf32, #tpu.memory_space<hbm>> -> memref<128x128xf32, #tpu.memory_space<hbm>>
      %dma_wait3A_334 = arith.constant 0 : i32
      %dma_wait3A_335 = tpu.memref_slice %arg4[%add3A_158, %dma_wait3A_334] : memref<65536x128xf32, #tpu.memory_space<hbm>> -> memref<128x128xf32, #tpu.memory_space<hbm>>
      %dma_wait3A_336 = arith.constant 384 : i32
      %dma_wait3A_337 = arith.constant 0 : i32
      %dma_wait3A_338 = tpu.memref_slice %arg6[%dma_wait3A_336, %dma_wait3A_337] : memref<512x128xf32, #tpu.memory_space<vmem>> -> memref<128x128xf32, #tpu.memory_space<vmem>>
      tpu.wait_dma2 semaphore(%run_scoped3A : memref<!tpu.dma_semaphore, #tpu.memory_space<semaphore_mem>>) src(%dma_wait3A_338 : memref<128x128xf32, #tpu.memory_space<vmem>>) dst(%dma_wait3A_335 : memref<128x128xf32, #tpu.memory_space<hbm>>)
      tpu.yield
    }) : () -> ()
    %dma_start3A_159 = arith.constant 0 : i32
    %dma_start3A_160 = arith.constant 0 : i32
    %dma_start3A_161 = tpu.memref_slice %arg6[%dma_start3A_159, %dma_start3A_160] : memref<512x128xf32, #tpu.memory_space<vmem>> -> memref<128x128xf32, #tpu.memory_space<vmem>>
    %dma_start3A_162 = arith.constant 1024 : i32
    %dma_start3A_163 = tpu.memref_slice %arg5[%dma_start3A_162] : memref<2048xi32, #tpu.memory_space<vmem>> -> memref<128xi32, #tpu.memory_space<vmem>>
    %dma_start3A_164 = arith.constant 0 : i32
    %dma_start3A_165 = arith.constant 0 : i32
    %dma_start3A_166 = tpu.memref_slice %arg2[%dma_start3A_164, %dma_start3A_165] : memref<500000x128xf32, #tpu.memory_space<hbm>> -> memref<500000x128xf32, #tpu.memory_space<hbm>>
    tpu.enqueue_indirect_dma source(%dma_start3A_166 : memref<500000x128xf32, #tpu.memory_space<hbm>>) target(%dma_start3A_161 : memref<128x128xf32, #tpu.memory_space<vmem>>) offsets(%dma_start3A_163 : memref<128xi32, #tpu.memory_space<vmem>>) semaphore(%arg7 : memref<!tpu.dma_semaphore, #tpu.memory_space<semaphore_mem>>)
    %dma_start3A_167 = arith.constant 128 : i32
    %dma_start3A_168 = arith.constant 0 : i32
    %dma_start3A_169 = tpu.memref_slice %arg6[%dma_start3A_167, %dma_start3A_168] : memref<512x128xf32, #tpu.memory_space<vmem>> -> memref<128x128xf32, #tpu.memory_space<vmem>>
    %dma_start3A_170 = arith.constant 1152 : i32
    %dma_start3A_171 = tpu.memref_slice %arg5[%dma_start3A_170] : memref<2048xi32, #tpu.memory_space<vmem>> -> memref<128xi32, #tpu.memory_space<vmem>>
    %dma_start3A_172 = arith.constant 0 : i32
    %dma_start3A_173 = arith.constant 0 : i32
    %dma_start3A_174 = tpu.memref_slice %arg2[%dma_start3A_172, %dma_start3A_173] : memref<500000x128xf32, #tpu.memory_space<hbm>> -> memref<500000x128xf32, #tpu.memory_space<hbm>>
    tpu.enqueue_indirect_dma source(%dma_start3A_174 : memref<500000x128xf32, #tpu.memory_space<hbm>>) target(%dma_start3A_169 : memref<128x128xf32, #tpu.memory_space<vmem>>) offsets(%dma_start3A_171 : memref<128xi32, #tpu.memory_space<vmem>>) semaphore(%arg7 : memref<!tpu.dma_semaphore, #tpu.memory_space<semaphore_mem>>)
    %dma_start3A_175 = arith.constant 256 : i32
    %dma_start3A_176 = arith.constant 0 : i32
    %dma_start3A_177 = tpu.memref_slice %arg6[%dma_start3A_175, %dma_start3A_176] : memref<512x128xf32, #tpu.memory_space<vmem>> -> memref<128x128xf32, #tpu.memory_space<vmem>>
    %dma_start3A_178 = arith.constant 1280 : i32
    %dma_start3A_179 = tpu.memref_slice %arg5[%dma_start3A_178] : memref<2048xi32, #tpu.memory_space<vmem>> -> memref<128xi32, #tpu.memory_space<vmem>>
    %dma_start3A_180 = arith.constant 0 : i32
    %dma_start3A_181 = arith.constant 0 : i32
    %dma_start3A_182 = tpu.memref_slice %arg2[%dma_start3A_180, %dma_start3A_181] : memref<500000x128xf32, #tpu.memory_space<hbm>> -> memref<500000x128xf32, #tpu.memory_space<hbm>>
    tpu.enqueue_indirect_dma source(%dma_start3A_182 : memref<500000x128xf32, #tpu.memory_space<hbm>>) target(%dma_start3A_177 : memref<128x128xf32, #tpu.memory_space<vmem>>) offsets(%dma_start3A_179 : memref<128xi32, #tpu.memory_space<vmem>>) semaphore(%arg7 : memref<!tpu.dma_semaphore, #tpu.memory_space<semaphore_mem>>)
    %dma_start3A_183 = arith.constant 384 : i32
    %dma_start3A_184 = arith.constant 0 : i32
    %dma_start3A_185 = tpu.memref_slice %arg6[%dma_start3A_183, %dma_start3A_184] : memref<512x128xf32, #tpu.memory_space<vmem>> -> memref<128x128xf32, #tpu.memory_space<vmem>>
    %dma_start3A_186 = arith.constant 1408 : i32
    %dma_start3A_187 = tpu.memref_slice %arg5[%dma_start3A_186] : memref<2048xi32, #tpu.memory_space<vmem>> -> memref<128xi32, #tpu.memory_space<vmem>>
    %dma_start3A_188 = arith.constant 0 : i32
    %dma_start3A_189 = arith.constant 0 : i32
    %dma_start3A_190 = tpu.memref_slice %arg2[%dma_start3A_188, %dma_start3A_189] : memref<500000x128xf32, #tpu.memory_space<hbm>> -> memref<500000x128xf32, #tpu.memory_space<hbm>>
    tpu.enqueue_indirect_dma source(%dma_start3A_190 : memref<500000x128xf32, #tpu.memory_space<hbm>>) target(%dma_start3A_185 : memref<128x128xf32, #tpu.memory_space<vmem>>) offsets(%dma_start3A_187 : memref<128xi32, #tpu.memory_space<vmem>>) semaphore(%arg7 : memref<!tpu.dma_semaphore, #tpu.memory_space<semaphore_mem>>)
    %dma_wait3A_191 = arith.constant 0 : i32
    %dma_wait3A_192 = arith.constant 0 : i32
    %dma_wait3A_193 = tpu.memref_slice %arg6[%dma_wait3A_191, %dma_wait3A_192] : memref<512x128xf32, #tpu.memory_space<vmem>> -> memref<128x128xf32, #tpu.memory_space<vmem>>
    %dma_wait3A_194 = arith.constant 1024 : i32
    %dma_wait3A_195 = tpu.memref_slice %arg5[%dma_wait3A_194] : memref<2048xi32, #tpu.memory_space<vmem>> -> memref<128xi32, #tpu.memory_space<vmem>>
    %dma_wait3A_196 = arith.constant 0 : i32
    %dma_wait3A_197 = arith.constant 0 : i32
    %dma_wait3A_198 = tpu.memref_slice %arg2[%dma_wait3A_196, %dma_wait3A_197] : memref<500000x128xf32, #tpu.memory_space<hbm>> -> memref<500000x128xf32, #tpu.memory_space<hbm>>
    tpu.wait_indirect_dma semaphore(%arg7 : memref<!tpu.dma_semaphore, #tpu.memory_space<semaphore_mem>>) src(%dma_wait3A_198 : memref<500000x128xf32, #tpu.memory_space<hbm>>) dst(%dma_wait3A_193 : memref<128x128xf32, #tpu.memory_space<vmem>>)
    %dma_wait3A_199 = arith.constant 128 : i32
    %dma_wait3A_200 = arith.constant 0 : i32
    %dma_wait3A_201 = tpu.memref_slice %arg6[%dma_wait3A_199, %dma_wait3A_200] : memref<512x128xf32, #tpu.memory_space<vmem>> -> memref<128x128xf32, #tpu.memory_space<vmem>>
    %dma_wait3A_202 = arith.constant 1152 : i32
    %dma_wait3A_203 = tpu.memref_slice %arg5[%dma_wait3A_202] : memref<2048xi32, #tpu.memory_space<vmem>> -> memref<128xi32, #tpu.memory_space<vmem>>
    %dma_wait3A_204 = arith.constant 0 : i32
    %dma_wait3A_205 = arith.constant 0 : i32
    %dma_wait3A_206 = tpu.memref_slice %arg2[%dma_wait3A_204, %dma_wait3A_205] : memref<500000x128xf32, #tpu.memory_space<hbm>> -> memref<500000x128xf32, #tpu.memory_space<hbm>>
    tpu.wait_indirect_dma semaphore(%arg7 : memref<!tpu.dma_semaphore, #tpu.memory_space<semaphore_mem>>) src(%dma_wait3A_206 : memref<500000x128xf32, #tpu.memory_space<hbm>>) dst(%dma_wait3A_201 : memref<128x128xf32, #tpu.memory_space<vmem>>)
    %dma_wait3A_207 = arith.constant 256 : i32
    %dma_wait3A_208 = arith.constant 0 : i32
    %dma_wait3A_209 = tpu.memref_slice %arg6[%dma_wait3A_207, %dma_wait3A_208] : memref<512x128xf32, #tpu.memory_space<vmem>> -> memref<128x128xf32, #tpu.memory_space<vmem>>
    %dma_wait3A_210 = arith.constant 1280 : i32
    %dma_wait3A_211 = tpu.memref_slice %arg5[%dma_wait3A_210] : memref<2048xi32, #tpu.memory_space<vmem>> -> memref<128xi32, #tpu.memory_space<vmem>>
    %dma_wait3A_212 = arith.constant 0 : i32
    %dma_wait3A_213 = arith.constant 0 : i32
    %dma_wait3A_214 = tpu.memref_slice %arg2[%dma_wait3A_212, %dma_wait3A_213] : memref<500000x128xf32, #tpu.memory_space<hbm>> -> memref<500000x128xf32, #tpu.memory_space<hbm>>
    tpu.wait_indirect_dma semaphore(%arg7 : memref<!tpu.dma_semaphore, #tpu.memory_space<semaphore_mem>>) src(%dma_wait3A_214 : memref<500000x128xf32, #tpu.memory_space<hbm>>) dst(%dma_wait3A_209 : memref<128x128xf32, #tpu.memory_space<vmem>>)
    %dma_wait3A_215 = arith.constant 384 : i32
    %dma_wait3A_216 = arith.constant 0 : i32
    %dma_wait3A_217 = tpu.memref_slice %arg6[%dma_wait3A_215, %dma_wait3A_216] : memref<512x128xf32, #tpu.memory_space<vmem>> -> memref<128x128xf32, #tpu.memory_space<vmem>>
    %dma_wait3A_218 = arith.constant 1408 : i32
    %dma_wait3A_219 = tpu.memref_slice %arg5[%dma_wait3A_218] : memref<2048xi32, #tpu.memory_space<vmem>> -> memref<128xi32, #tpu.memory_space<vmem>>
    %dma_wait3A_220 = arith.constant 0 : i32
    %dma_wait3A_221 = arith.constant 0 : i32
    %dma_wait3A_222 = tpu.memref_slice %arg2[%dma_wait3A_220, %dma_wait3A_221] : memref<500000x128xf32, #tpu.memory_space<hbm>> -> memref<500000x128xf32, #tpu.memory_space<hbm>>
    tpu.wait_indirect_dma semaphore(%arg7 : memref<!tpu.dma_semaphore, #tpu.memory_space<semaphore_mem>>) src(%dma_wait3A_222 : memref<500000x128xf32, #tpu.memory_space<hbm>>) dst(%dma_wait3A_217 : memref<128x128xf32, #tpu.memory_space<vmem>>)
    %mul3A_223 = arith.constant 2048 : i32
    %mul3A_224 = arith.muli %add3A, %mul3A_223 : i32
    %add3A_225 = arith.constant 1024 : i32
    %add3A_226 = arith.addi %mul3A_224, %add3A_225 : i32
    "tpu.region"() ({
      %run_scoped3A = tpu.sem_alloc : memref<!tpu.dma_semaphore, #tpu.memory_space<semaphore_mem>>
      %dma_start3A_319 = arith.constant 0 : i32
      %dma_start3A_320 = arith.constant 0 : i32
      %dma_start3A_321 = tpu.memref_slice %arg6[%dma_start3A_319, %dma_start3A_320] : memref<512x128xf32, #tpu.memory_space<vmem>> -> memref<128x128xf32, #tpu.memory_space<vmem>>
      %dma_start3A_322 = arith.constant 0 : i32
      %dma_start3A_323 = tpu.memref_slice %arg4[%add3A_226, %dma_start3A_322] : memref<65536x128xf32, #tpu.memory_space<hbm>> -> memref<128x128xf32, #tpu.memory_space<hbm>>
      %dma_start3A_324 = arith.constant 0 : i32
      %dma_start3A_325 = tpu.memref_slice %arg4[%add3A_226, %dma_start3A_324] : memref<65536x128xf32, #tpu.memory_space<hbm>> -> memref<128x128xf32, #tpu.memory_space<hbm>>
      %dma_start3A_326 = arith.constant 0 : i32
      %dma_start3A_327 = arith.constant 0 : i32
      %dma_start3A_328 = tpu.memref_slice %arg6[%dma_start3A_326, %dma_start3A_327] : memref<512x128xf32, #tpu.memory_space<vmem>> -> memref<128x128xf32, #tpu.memory_space<vmem>>
      tpu.enqueue_dma source(%dma_start3A_328 : memref<128x128xf32, #tpu.memory_space<vmem>>) target(%dma_start3A_325 : memref<128x128xf32, #tpu.memory_space<hbm>>) target_semaphore(%run_scoped3A : memref<!tpu.dma_semaphore, #tpu.memory_space<semaphore_mem>>)
      %dma_wait3A_329 = arith.constant 0 : i32
      %dma_wait3A_330 = arith.constant 0 : i32
      %dma_wait3A_331 = tpu.memref_slice %arg6[%dma_wait3A_329, %dma_wait3A_330] : memref<512x128xf32, #tpu.memory_space<vmem>> -> memref<128x128xf32, #tpu.memory_space<vmem>>
      %dma_wait3A_332 = arith.constant 0 : i32
      %dma_wait3A_333 = tpu.memref_slice %arg4[%add3A_226, %dma_wait3A_332] : memref<65536x128xf32, #tpu.memory_space<hbm>> -> memref<128x128xf32, #tpu.memory_space<hbm>>
      %dma_wait3A_334 = arith.constant 0 : i32
      %dma_wait3A_335 = tpu.memref_slice %arg4[%add3A_226, %dma_wait3A_334] : memref<65536x128xf32, #tpu.memory_space<hbm>> -> memref<128x128xf32, #tpu.memory_space<hbm>>
      %dma_wait3A_336 = arith.constant 0 : i32
      %dma_wait3A_337 = arith.constant 0 : i32
      %dma_wait3A_338 = tpu.memref_slice %arg6[%dma_wait3A_336, %dma_wait3A_337] : memref<512x128xf32, #tpu.memory_space<vmem>> -> memref<128x128xf32, #tpu.memory_space<vmem>>
      tpu.wait_dma2 semaphore(%run_scoped3A : memref<!tpu.dma_semaphore, #tpu.memory_space<semaphore_mem>>) src(%dma_wait3A_338 : memref<128x128xf32, #tpu.memory_space<vmem>>) dst(%dma_wait3A_335 : memref<128x128xf32, #tpu.memory_space<hbm>>)
      tpu.yield
    }) : () -> ()
    %mul3A_227 = arith.constant 2048 : i32
    %mul3A_228 = arith.muli %add3A, %mul3A_227 : i32
    %add3A_229 = arith.constant 1152 : i32
    %add3A_230 = arith.addi %mul3A_228, %add3A_229 : i32
    "tpu.region"() ({
      %run_scoped3A = tpu.sem_alloc : memref<!tpu.dma_semaphore, #tpu.memory_space<semaphore_mem>>
      %dma_start3A_319 = arith.constant 128 : i32
      %dma_start3A_320 = arith.constant 0 : i32
      %dma_start3A_321 = tpu.memref_slice %arg6[%dma_start3A_319, %dma_start3A_320] : memref<512x128xf32, #tpu.memory_space<vmem>> -> memref<128x128xf32, #tpu.memory_space<vmem>>
      %dma_start3A_322 = arith.constant 0 : i32
      %dma_start3A_323 = tpu.memref_slice %arg4[%add3A_230, %dma_start3A_322] : memref<65536x128xf32, #tpu.memory_space<hbm>> -> memref<128x128xf32, #tpu.memory_space<hbm>>
      %dma_start3A_324 = arith.constant 0 : i32
      %dma_start3A_325 = tpu.memref_slice %arg4[%add3A_230, %dma_start3A_324] : memref<65536x128xf32, #tpu.memory_space<hbm>> -> memref<128x128xf32, #tpu.memory_space<hbm>>
      %dma_start3A_326 = arith.constant 128 : i32
      %dma_start3A_327 = arith.constant 0 : i32
      %dma_start3A_328 = tpu.memref_slice %arg6[%dma_start3A_326, %dma_start3A_327] : memref<512x128xf32, #tpu.memory_space<vmem>> -> memref<128x128xf32, #tpu.memory_space<vmem>>
      tpu.enqueue_dma source(%dma_start3A_328 : memref<128x128xf32, #tpu.memory_space<vmem>>) target(%dma_start3A_325 : memref<128x128xf32, #tpu.memory_space<hbm>>) target_semaphore(%run_scoped3A : memref<!tpu.dma_semaphore, #tpu.memory_space<semaphore_mem>>)
      %dma_wait3A_329 = arith.constant 128 : i32
      %dma_wait3A_330 = arith.constant 0 : i32
      %dma_wait3A_331 = tpu.memref_slice %arg6[%dma_wait3A_329, %dma_wait3A_330] : memref<512x128xf32, #tpu.memory_space<vmem>> -> memref<128x128xf32, #tpu.memory_space<vmem>>
      %dma_wait3A_332 = arith.constant 0 : i32
      %dma_wait3A_333 = tpu.memref_slice %arg4[%add3A_230, %dma_wait3A_332] : memref<65536x128xf32, #tpu.memory_space<hbm>> -> memref<128x128xf32, #tpu.memory_space<hbm>>
      %dma_wait3A_334 = arith.constant 0 : i32
      %dma_wait3A_335 = tpu.memref_slice %arg4[%add3A_230, %dma_wait3A_334] : memref<65536x128xf32, #tpu.memory_space<hbm>> -> memref<128x128xf32, #tpu.memory_space<hbm>>
      %dma_wait3A_336 = arith.constant 128 : i32
      %dma_wait3A_337 = arith.constant 0 : i32
      %dma_wait3A_338 = tpu.memref_slice %arg6[%dma_wait3A_336, %dma_wait3A_337] : memref<512x128xf32, #tpu.memory_space<vmem>> -> memref<128x128xf32, #tpu.memory_space<vmem>>
      tpu.wait_dma2 semaphore(%run_scoped3A : memref<!tpu.dma_semaphore, #tpu.memory_space<semaphore_mem>>) src(%dma_wait3A_338 : memref<128x128xf32, #tpu.memory_space<vmem>>) dst(%dma_wait3A_335 : memref<128x128xf32, #tpu.memory_space<hbm>>)
      tpu.yield
    }) : () -> ()
    %mul3A_231 = arith.constant 2048 : i32
    %mul3A_232 = arith.muli %add3A, %mul3A_231 : i32
    %add3A_233 = arith.constant 1280 : i32
    %add3A_234 = arith.addi %mul3A_232, %add3A_233 : i32
    "tpu.region"() ({
      %run_scoped3A = tpu.sem_alloc : memref<!tpu.dma_semaphore, #tpu.memory_space<semaphore_mem>>
      %dma_start3A_319 = arith.constant 256 : i32
      %dma_start3A_320 = arith.constant 0 : i32
      %dma_start3A_321 = tpu.memref_slice %arg6[%dma_start3A_319, %dma_start3A_320] : memref<512x128xf32, #tpu.memory_space<vmem>> -> memref<128x128xf32, #tpu.memory_space<vmem>>
      %dma_start3A_322 = arith.constant 0 : i32
      %dma_start3A_323 = tpu.memref_slice %arg4[%add3A_234, %dma_start3A_322] : memref<65536x128xf32, #tpu.memory_space<hbm>> -> memref<128x128xf32, #tpu.memory_space<hbm>>
      %dma_start3A_324 = arith.constant 0 : i32
      %dma_start3A_325 = tpu.memref_slice %arg4[%add3A_234, %dma_start3A_324] : memref<65536x128xf32, #tpu.memory_space<hbm>> -> memref<128x128xf32, #tpu.memory_space<hbm>>
      %dma_start3A_326 = arith.constant 256 : i32
      %dma_start3A_327 = arith.constant 0 : i32
      %dma_start3A_328 = tpu.memref_slice %arg6[%dma_start3A_326, %dma_start3A_327] : memref<512x128xf32, #tpu.memory_space<vmem>> -> memref<128x128xf32, #tpu.memory_space<vmem>>
      tpu.enqueue_dma source(%dma_start3A_328 : memref<128x128xf32, #tpu.memory_space<vmem>>) target(%dma_start3A_325 : memref<128x128xf32, #tpu.memory_space<hbm>>) target_semaphore(%run_scoped3A : memref<!tpu.dma_semaphore, #tpu.memory_space<semaphore_mem>>)
      %dma_wait3A_329 = arith.constant 256 : i32
      %dma_wait3A_330 = arith.constant 0 : i32
      %dma_wait3A_331 = tpu.memref_slice %arg6[%dma_wait3A_329, %dma_wait3A_330] : memref<512x128xf32, #tpu.memory_space<vmem>> -> memref<128x128xf32, #tpu.memory_space<vmem>>
      %dma_wait3A_332 = arith.constant 0 : i32
      %dma_wait3A_333 = tpu.memref_slice %arg4[%add3A_234, %dma_wait3A_332] : memref<65536x128xf32, #tpu.memory_space<hbm>> -> memref<128x128xf32, #tpu.memory_space<hbm>>
      %dma_wait3A_334 = arith.constant 0 : i32
      %dma_wait3A_335 = tpu.memref_slice %arg4[%add3A_234, %dma_wait3A_334] : memref<65536x128xf32, #tpu.memory_space<hbm>> -> memref<128x128xf32, #tpu.memory_space<hbm>>
      %dma_wait3A_336 = arith.constant 256 : i32
      %dma_wait3A_337 = arith.constant 0 : i32
      %dma_wait3A_338 = tpu.memref_slice %arg6[%dma_wait3A_336, %dma_wait3A_337] : memref<512x128xf32, #tpu.memory_space<vmem>> -> memref<128x128xf32, #tpu.memory_space<vmem>>
      tpu.wait_dma2 semaphore(%run_scoped3A : memref<!tpu.dma_semaphore, #tpu.memory_space<semaphore_mem>>) src(%dma_wait3A_338 : memref<128x128xf32, #tpu.memory_space<vmem>>) dst(%dma_wait3A_335 : memref<128x128xf32, #tpu.memory_space<hbm>>)
      tpu.yield
    }) : () -> ()
    %mul3A_235 = arith.constant 2048 : i32
    %mul3A_236 = arith.muli %add3A, %mul3A_235 : i32
    %add3A_237 = arith.constant 1408 : i32
    %add3A_238 = arith.addi %mul3A_236, %add3A_237 : i32
    "tpu.region"() ({
      %run_scoped3A = tpu.sem_alloc : memref<!tpu.dma_semaphore, #tpu.memory_space<semaphore_mem>>
      %dma_start3A_319 = arith.constant 384 : i32
      %dma_start3A_320 = arith.constant 0 : i32
      %dma_start3A_321 = tpu.memref_slice %arg6[%dma_start3A_319, %dma_start3A_320] : memref<512x128xf32, #tpu.memory_space<vmem>> -> memref<128x128xf32, #tpu.memory_space<vmem>>
      %dma_start3A_322 = arith.constant 0 : i32
      %dma_start3A_323 = tpu.memref_slice %arg4[%add3A_238, %dma_start3A_322] : memref<65536x128xf32, #tpu.memory_space<hbm>> -> memref<128x128xf32, #tpu.memory_space<hbm>>
      %dma_start3A_324 = arith.constant 0 : i32
      %dma_start3A_325 = tpu.memref_slice %arg4[%add3A_238, %dma_start3A_324] : memref<65536x128xf32, #tpu.memory_space<hbm>> -> memref<128x128xf32, #tpu.memory_space<hbm>>
      %dma_start3A_326 = arith.constant 384 : i32
      %dma_start3A_327 = arith.constant 0 : i32
      %dma_start3A_328 = tpu.memref_slice %arg6[%dma_start3A_326, %dma_start3A_327] : memref<512x128xf32, #tpu.memory_space<vmem>> -> memref<128x128xf32, #tpu.memory_space<vmem>>
      tpu.enqueue_dma source(%dma_start3A_328 : memref<128x128xf32, #tpu.memory_space<vmem>>) target(%dma_start3A_325 : memref<128x128xf32, #tpu.memory_space<hbm>>) target_semaphore(%run_scoped3A : memref<!tpu.dma_semaphore, #tpu.memory_space<semaphore_mem>>)
      %dma_wait3A_329 = arith.constant 384 : i32
      %dma_wait3A_330 = arith.constant 0 : i32
      %dma_wait3A_331 = tpu.memref_slice %arg6[%dma_wait3A_329, %dma_wait3A_330] : memref<512x128xf32, #tpu.memory_space<vmem>> -> memref<128x128xf32, #tpu.memory_space<vmem>>
      %dma_wait3A_332 = arith.constant 0 : i32
      %dma_wait3A_333 = tpu.memref_slice %arg4[%add3A_238, %dma_wait3A_332] : memref<65536x128xf32, #tpu.memory_space<hbm>> -> memref<128x128xf32, #tpu.memory_space<hbm>>
      %dma_wait3A_334 = arith.constant 0 : i32
      %dma_wait3A_335 = tpu.memref_slice %arg4[%add3A_238, %dma_wait3A_334] : memref<65536x128xf32, #tpu.memory_space<hbm>> -> memref<128x128xf32, #tpu.memory_space<hbm>>
      %dma_wait3A_336 = arith.constant 384 : i32
      %dma_wait3A_337 = arith.constant 0 : i32
      %dma_wait3A_338 = tpu.memref_slice %arg6[%dma_wait3A_336, %dma_wait3A_337] : memref<512x128xf32, #tpu.memory_space<vmem>> -> memref<128x128xf32, #tpu.memory_space<vmem>>
      tpu.wait_dma2 semaphore(%run_scoped3A : memref<!tpu.dma_semaphore, #tpu.memory_space<semaphore_mem>>) src(%dma_wait3A_338 : memref<128x128xf32, #tpu.memory_space<vmem>>) dst(%dma_wait3A_335 : memref<128x128xf32, #tpu.memory_space<hbm>>)
      tpu.yield
    }) : () -> ()
    %dma_start3A_239 = arith.constant 0 : i32
    %dma_start3A_240 = arith.constant 0 : i32
    %dma_start3A_241 = tpu.memref_slice %arg6[%dma_start3A_239, %dma_start3A_240] : memref<512x128xf32, #tpu.memory_space<vmem>> -> memref<128x128xf32, #tpu.memory_space<vmem>>
    %dma_start3A_242 = arith.constant 1536 : i32
    %dma_start3A_243 = tpu.memref_slice %arg5[%dma_start3A_242] : memref<2048xi32, #tpu.memory_space<vmem>> -> memref<128xi32, #tpu.memory_space<vmem>>
    %dma_start3A_244 = arith.constant 0 : i32
    %dma_start3A_245 = arith.constant 0 : i32
    %dma_start3A_246 = tpu.memref_slice %arg2[%dma_start3A_244, %dma_start3A_245] : memref<500000x128xf32, #tpu.memory_space<hbm>> -> memref<500000x128xf32, #tpu.memory_space<hbm>>
    tpu.enqueue_indirect_dma source(%dma_start3A_246 : memref<500000x128xf32, #tpu.memory_space<hbm>>) target(%dma_start3A_241 : memref<128x128xf32, #tpu.memory_space<vmem>>) offsets(%dma_start3A_243 : memref<128xi32, #tpu.memory_space<vmem>>) semaphore(%arg7 : memref<!tpu.dma_semaphore, #tpu.memory_space<semaphore_mem>>)
    %dma_start3A_247 = arith.constant 128 : i32
    %dma_start3A_248 = arith.constant 0 : i32
    %dma_start3A_249 = tpu.memref_slice %arg6[%dma_start3A_247, %dma_start3A_248] : memref<512x128xf32, #tpu.memory_space<vmem>> -> memref<128x128xf32, #tpu.memory_space<vmem>>
    %dma_start3A_250 = arith.constant 1664 : i32
    %dma_start3A_251 = tpu.memref_slice %arg5[%dma_start3A_250] : memref<2048xi32, #tpu.memory_space<vmem>> -> memref<128xi32, #tpu.memory_space<vmem>>
    %dma_start3A_252 = arith.constant 0 : i32
    %dma_start3A_253 = arith.constant 0 : i32
    %dma_start3A_254 = tpu.memref_slice %arg2[%dma_start3A_252, %dma_start3A_253] : memref<500000x128xf32, #tpu.memory_space<hbm>> -> memref<500000x128xf32, #tpu.memory_space<hbm>>
    tpu.enqueue_indirect_dma source(%dma_start3A_254 : memref<500000x128xf32, #tpu.memory_space<hbm>>) target(%dma_start3A_249 : memref<128x128xf32, #tpu.memory_space<vmem>>) offsets(%dma_start3A_251 : memref<128xi32, #tpu.memory_space<vmem>>) semaphore(%arg7 : memref<!tpu.dma_semaphore, #tpu.memory_space<semaphore_mem>>)
    %dma_start3A_255 = arith.constant 256 : i32
    %dma_start3A_256 = arith.constant 0 : i32
    %dma_start3A_257 = tpu.memref_slice %arg6[%dma_start3A_255, %dma_start3A_256] : memref<512x128xf32, #tpu.memory_space<vmem>> -> memref<128x128xf32, #tpu.memory_space<vmem>>
    %dma_start3A_258 = arith.constant 1792 : i32
    %dma_start3A_259 = tpu.memref_slice %arg5[%dma_start3A_258] : memref<2048xi32, #tpu.memory_space<vmem>> -> memref<128xi32, #tpu.memory_space<vmem>>
    %dma_start3A_260 = arith.constant 0 : i32
    %dma_start3A_261 = arith.constant 0 : i32
    %dma_start3A_262 = tpu.memref_slice %arg2[%dma_start3A_260, %dma_start3A_261] : memref<500000x128xf32, #tpu.memory_space<hbm>> -> memref<500000x128xf32, #tpu.memory_space<hbm>>
    tpu.enqueue_indirect_dma source(%dma_start3A_262 : memref<500000x128xf32, #tpu.memory_space<hbm>>) target(%dma_start3A_257 : memref<128x128xf32, #tpu.memory_space<vmem>>) offsets(%dma_start3A_259 : memref<128xi32, #tpu.memory_space<vmem>>) semaphore(%arg7 : memref<!tpu.dma_semaphore, #tpu.memory_space<semaphore_mem>>)
    %dma_start3A_263 = arith.constant 384 : i32
    %dma_start3A_264 = arith.constant 0 : i32
    %dma_start3A_265 = tpu.memref_slice %arg6[%dma_start3A_263, %dma_start3A_264] : memref<512x128xf32, #tpu.memory_space<vmem>> -> memref<128x128xf32, #tpu.memory_space<vmem>>
    %dma_start3A_266 = arith.constant 1920 : i32
    %dma_start3A_267 = tpu.memref_slice %arg5[%dma_start3A_266] : memref<2048xi32, #tpu.memory_space<vmem>> -> memref<128xi32, #tpu.memory_space<vmem>>
    %dma_start3A_268 = arith.constant 0 : i32
    %dma_start3A_269 = arith.constant 0 : i32
    %dma_start3A_270 = tpu.memref_slice %arg2[%dma_start3A_268, %dma_start3A_269] : memref<500000x128xf32, #tpu.memory_space<hbm>> -> memref<500000x128xf32, #tpu.memory_space<hbm>>
    tpu.enqueue_indirect_dma source(%dma_start3A_270 : memref<500000x128xf32, #tpu.memory_space<hbm>>) target(%dma_start3A_265 : memref<128x128xf32, #tpu.memory_space<vmem>>) offsets(%dma_start3A_267 : memref<128xi32, #tpu.memory_space<vmem>>) semaphore(%arg7 : memref<!tpu.dma_semaphore, #tpu.memory_space<semaphore_mem>>)
    %dma_wait3A_271 = arith.constant 0 : i32
    %dma_wait3A_272 = arith.constant 0 : i32
    %dma_wait3A_273 = tpu.memref_slice %arg6[%dma_wait3A_271, %dma_wait3A_272] : memref<512x128xf32, #tpu.memory_space<vmem>> -> memref<128x128xf32, #tpu.memory_space<vmem>>
    %dma_wait3A_274 = arith.constant 1536 : i32
    %dma_wait3A_275 = tpu.memref_slice %arg5[%dma_wait3A_274] : memref<2048xi32, #tpu.memory_space<vmem>> -> memref<128xi32, #tpu.memory_space<vmem>>
    %dma_wait3A_276 = arith.constant 0 : i32
    %dma_wait3A_277 = arith.constant 0 : i32
    %dma_wait3A_278 = tpu.memref_slice %arg2[%dma_wait3A_276, %dma_wait3A_277] : memref<500000x128xf32, #tpu.memory_space<hbm>> -> memref<500000x128xf32, #tpu.memory_space<hbm>>
    tpu.wait_indirect_dma semaphore(%arg7 : memref<!tpu.dma_semaphore, #tpu.memory_space<semaphore_mem>>) src(%dma_wait3A_278 : memref<500000x128xf32, #tpu.memory_space<hbm>>) dst(%dma_wait3A_273 : memref<128x128xf32, #tpu.memory_space<vmem>>)
    %dma_wait3A_279 = arith.constant 128 : i32
    %dma_wait3A_280 = arith.constant 0 : i32
    %dma_wait3A_281 = tpu.memref_slice %arg6[%dma_wait3A_279, %dma_wait3A_280] : memref<512x128xf32, #tpu.memory_space<vmem>> -> memref<128x128xf32, #tpu.memory_space<vmem>>
    %dma_wait3A_282 = arith.constant 1664 : i32
    %dma_wait3A_283 = tpu.memref_slice %arg5[%dma_wait3A_282] : memref<2048xi32, #tpu.memory_space<vmem>> -> memref<128xi32, #tpu.memory_space<vmem>>
    %dma_wait3A_284 = arith.constant 0 : i32
    %dma_wait3A_285 = arith.constant 0 : i32
    %dma_wait3A_286 = tpu.memref_slice %arg2[%dma_wait3A_284, %dma_wait3A_285] : memref<500000x128xf32, #tpu.memory_space<hbm>> -> memref<500000x128xf32, #tpu.memory_space<hbm>>
    tpu.wait_indirect_dma semaphore(%arg7 : memref<!tpu.dma_semaphore, #tpu.memory_space<semaphore_mem>>) src(%dma_wait3A_286 : memref<500000x128xf32, #tpu.memory_space<hbm>>) dst(%dma_wait3A_281 : memref<128x128xf32, #tpu.memory_space<vmem>>)
    %dma_wait3A_287 = arith.constant 256 : i32
    %dma_wait3A_288 = arith.constant 0 : i32
    %dma_wait3A_289 = tpu.memref_slice %arg6[%dma_wait3A_287, %dma_wait3A_288] : memref<512x128xf32, #tpu.memory_space<vmem>> -> memref<128x128xf32, #tpu.memory_space<vmem>>
    %dma_wait3A_290 = arith.constant 1792 : i32
    %dma_wait3A_291 = tpu.memref_slice %arg5[%dma_wait3A_290] : memref<2048xi32, #tpu.memory_space<vmem>> -> memref<128xi32, #tpu.memory_space<vmem>>
    %dma_wait3A_292 = arith.constant 0 : i32
    %dma_wait3A_293 = arith.constant 0 : i32
    %dma_wait3A_294 = tpu.memref_slice %arg2[%dma_wait3A_292, %dma_wait3A_293] : memref<500000x128xf32, #tpu.memory_space<hbm>> -> memref<500000x128xf32, #tpu.memory_space<hbm>>
    tpu.wait_indirect_dma semaphore(%arg7 : memref<!tpu.dma_semaphore, #tpu.memory_space<semaphore_mem>>) src(%dma_wait3A_294 : memref<500000x128xf32, #tpu.memory_space<hbm>>) dst(%dma_wait3A_289 : memref<128x128xf32, #tpu.memory_space<vmem>>)
    %dma_wait3A_295 = arith.constant 384 : i32
    %dma_wait3A_296 = arith.constant 0 : i32
    %dma_wait3A_297 = tpu.memref_slice %arg6[%dma_wait3A_295, %dma_wait3A_296] : memref<512x128xf32, #tpu.memory_space<vmem>> -> memref<128x128xf32, #tpu.memory_space<vmem>>
    %dma_wait3A_298 = arith.constant 1920 : i32
    %dma_wait3A_299 = tpu.memref_slice %arg5[%dma_wait3A_298] : memref<2048xi32, #tpu.memory_space<vmem>> -> memref<128xi32, #tpu.memory_space<vmem>>
    %dma_wait3A_300 = arith.constant 0 : i32
    %dma_wait3A_301 = arith.constant 0 : i32
    %dma_wait3A_302 = tpu.memref_slice %arg2[%dma_wait3A_300, %dma_wait3A_301] : memref<500000x128xf32, #tpu.memory_space<hbm>> -> memref<500000x128xf32, #tpu.memory_space<hbm>>
    tpu.wait_indirect_dma semaphore(%arg7 : memref<!tpu.dma_semaphore, #tpu.memory_space<semaphore_mem>>) src(%dma_wait3A_302 : memref<500000x128xf32, #tpu.memory_space<hbm>>) dst(%dma_wait3A_297 : memref<128x128xf32, #tpu.memory_space<vmem>>)
    %mul3A_303 = arith.constant 2048 : i32
    %mul3A_304 = arith.muli %add3A, %mul3A_303 : i32
    %add3A_305 = arith.constant 1536 : i32
    %add3A_306 = arith.addi %mul3A_304, %add3A_305 : i32
    "tpu.region"() ({
      %run_scoped3A = tpu.sem_alloc : memref<!tpu.dma_semaphore, #tpu.memory_space<semaphore_mem>>
      %dma_start3A_319 = arith.constant 0 : i32
      %dma_start3A_320 = arith.constant 0 : i32
      %dma_start3A_321 = tpu.memref_slice %arg6[%dma_start3A_319, %dma_start3A_320] : memref<512x128xf32, #tpu.memory_space<vmem>> -> memref<128x128xf32, #tpu.memory_space<vmem>>
      %dma_start3A_322 = arith.constant 0 : i32
      %dma_start3A_323 = tpu.memref_slice %arg4[%add3A_306, %dma_start3A_322] : memref<65536x128xf32, #tpu.memory_space<hbm>> -> memref<128x128xf32, #tpu.memory_space<hbm>>
      %dma_start3A_324 = arith.constant 0 : i32
      %dma_start3A_325 = tpu.memref_slice %arg4[%add3A_306, %dma_start3A_324] : memref<65536x128xf32, #tpu.memory_space<hbm>> -> memref<128x128xf32, #tpu.memory_space<hbm>>
      %dma_start3A_326 = arith.constant 0 : i32
      %dma_start3A_327 = arith.constant 0 : i32
      %dma_start3A_328 = tpu.memref_slice %arg6[%dma_start3A_326, %dma_start3A_327] : memref<512x128xf32, #tpu.memory_space<vmem>> -> memref<128x128xf32, #tpu.memory_space<vmem>>
      tpu.enqueue_dma source(%dma_start3A_328 : memref<128x128xf32, #tpu.memory_space<vmem>>) target(%dma_start3A_325 : memref<128x128xf32, #tpu.memory_space<hbm>>) target_semaphore(%run_scoped3A : memref<!tpu.dma_semaphore, #tpu.memory_space<semaphore_mem>>)
      %dma_wait3A_329 = arith.constant 0 : i32
      %dma_wait3A_330 = arith.constant 0 : i32
      %dma_wait3A_331 = tpu.memref_slice %arg6[%dma_wait3A_329, %dma_wait3A_330] : memref<512x128xf32, #tpu.memory_space<vmem>> -> memref<128x128xf32, #tpu.memory_space<vmem>>
      %dma_wait3A_332 = arith.constant 0 : i32
      %dma_wait3A_333 = tpu.memref_slice %arg4[%add3A_306, %dma_wait3A_332] : memref<65536x128xf32, #tpu.memory_space<hbm>> -> memref<128x128xf32, #tpu.memory_space<hbm>>
      %dma_wait3A_334 = arith.constant 0 : i32
      %dma_wait3A_335 = tpu.memref_slice %arg4[%add3A_306, %dma_wait3A_334] : memref<65536x128xf32, #tpu.memory_space<hbm>> -> memref<128x128xf32, #tpu.memory_space<hbm>>
      %dma_wait3A_336 = arith.constant 0 : i32
      %dma_wait3A_337 = arith.constant 0 : i32
      %dma_wait3A_338 = tpu.memref_slice %arg6[%dma_wait3A_336, %dma_wait3A_337] : memref<512x128xf32, #tpu.memory_space<vmem>> -> memref<128x128xf32, #tpu.memory_space<vmem>>
      tpu.wait_dma2 semaphore(%run_scoped3A : memref<!tpu.dma_semaphore, #tpu.memory_space<semaphore_mem>>) src(%dma_wait3A_338 : memref<128x128xf32, #tpu.memory_space<vmem>>) dst(%dma_wait3A_335 : memref<128x128xf32, #tpu.memory_space<hbm>>)
      tpu.yield
    }) : () -> ()
    %mul3A_307 = arith.constant 2048 : i32
    %mul3A_308 = arith.muli %add3A, %mul3A_307 : i32
    %add3A_309 = arith.constant 1664 : i32
    %add3A_310 = arith.addi %mul3A_308, %add3A_309 : i32
    "tpu.region"() ({
      %run_scoped3A = tpu.sem_alloc : memref<!tpu.dma_semaphore, #tpu.memory_space<semaphore_mem>>
      %dma_start3A_319 = arith.constant 128 : i32
      %dma_start3A_320 = arith.constant 0 : i32
      %dma_start3A_321 = tpu.memref_slice %arg6[%dma_start3A_319, %dma_start3A_320] : memref<512x128xf32, #tpu.memory_space<vmem>> -> memref<128x128xf32, #tpu.memory_space<vmem>>
      %dma_start3A_322 = arith.constant 0 : i32
      %dma_start3A_323 = tpu.memref_slice %arg4[%add3A_310, %dma_start3A_322] : memref<65536x128xf32, #tpu.memory_space<hbm>> -> memref<128x128xf32, #tpu.memory_space<hbm>>
      %dma_start3A_324 = arith.constant 0 : i32
      %dma_start3A_325 = tpu.memref_slice %arg4[%add3A_310, %dma_start3A_324] : memref<65536x128xf32, #tpu.memory_space<hbm>> -> memref<128x128xf32, #tpu.memory_space<hbm>>
      %dma_start3A_326 = arith.constant 128 : i32
      %dma_start3A_327 = arith.constant 0 : i32
      %dma_start3A_328 = tpu.memref_slice %arg6[%dma_start3A_326, %dma_start3A_327] : memref<512x128xf32, #tpu.memory_space<vmem>> -> memref<128x128xf32, #tpu.memory_space<vmem>>
      tpu.enqueue_dma source(%dma_start3A_328 : memref<128x128xf32, #tpu.memory_space<vmem>>) target(%dma_start3A_325 : memref<128x128xf32, #tpu.memory_space<hbm>>) target_semaphore(%run_scoped3A : memref<!tpu.dma_semaphore, #tpu.memory_space<semaphore_mem>>)
      %dma_wait3A_329 = arith.constant 128 : i32
      %dma_wait3A_330 = arith.constant 0 : i32
      %dma_wait3A_331 = tpu.memref_slice %arg6[%dma_wait3A_329, %dma_wait3A_330] : memref<512x128xf32, #tpu.memory_space<vmem>> -> memref<128x128xf32, #tpu.memory_space<vmem>>
      %dma_wait3A_332 = arith.constant 0 : i32
      %dma_wait3A_333 = tpu.memref_slice %arg4[%add3A_310, %dma_wait3A_332] : memref<65536x128xf32, #tpu.memory_space<hbm>> -> memref<128x128xf32, #tpu.memory_space<hbm>>
      %dma_wait3A_334 = arith.constant 0 : i32
      %dma_wait3A_335 = tpu.memref_slice %arg4[%add3A_310, %dma_wait3A_334] : memref<65536x128xf32, #tpu.memory_space<hbm>> -> memref<128x128xf32, #tpu.memory_space<hbm>>
      %dma_wait3A_336 = arith.constant 128 : i32
      %dma_wait3A_337 = arith.constant 0 : i32
      %dma_wait3A_338 = tpu.memref_slice %arg6[%dma_wait3A_336, %dma_wait3A_337] : memref<512x128xf32, #tpu.memory_space<vmem>> -> memref<128x128xf32, #tpu.memory_space<vmem>>
      tpu.wait_dma2 semaphore(%run_scoped3A : memref<!tpu.dma_semaphore, #tpu.memory_space<semaphore_mem>>) src(%dma_wait3A_338 : memref<128x128xf32, #tpu.memory_space<vmem>>) dst(%dma_wait3A_335 : memref<128x128xf32, #tpu.memory_space<hbm>>)
      tpu.yield
    }) : () -> ()
    %mul3A_311 = arith.constant 2048 : i32
    %mul3A_312 = arith.muli %add3A, %mul3A_311 : i32
    %add3A_313 = arith.constant 1792 : i32
    %add3A_314 = arith.addi %mul3A_312, %add3A_313 : i32
    "tpu.region"() ({
      %run_scoped3A = tpu.sem_alloc : memref<!tpu.dma_semaphore, #tpu.memory_space<semaphore_mem>>
      %dma_start3A_319 = arith.constant 256 : i32
      %dma_start3A_320 = arith.constant 0 : i32
      %dma_start3A_321 = tpu.memref_slice %arg6[%dma_start3A_319, %dma_start3A_320] : memref<512x128xf32, #tpu.memory_space<vmem>> -> memref<128x128xf32, #tpu.memory_space<vmem>>
      %dma_start3A_322 = arith.constant 0 : i32
      %dma_start3A_323 = tpu.memref_slice %arg4[%add3A_314, %dma_start3A_322] : memref<65536x128xf32, #tpu.memory_space<hbm>> -> memref<128x128xf32, #tpu.memory_space<hbm>>
      %dma_start3A_324 = arith.constant 0 : i32
      %dma_start3A_325 = tpu.memref_slice %arg4[%add3A_314, %dma_start3A_324] : memref<65536x128xf32, #tpu.memory_space<hbm>> -> memref<128x128xf32, #tpu.memory_space<hbm>>
      %dma_start3A_326 = arith.constant 256 : i32
      %dma_start3A_327 = arith.constant 0 : i32
      %dma_start3A_328 = tpu.memref_slice %arg6[%dma_start3A_326, %dma_start3A_327] : memref<512x128xf32, #tpu.memory_space<vmem>> -> memref<128x128xf32, #tpu.memory_space<vmem>>
      tpu.enqueue_dma source(%dma_start3A_328 : memref<128x128xf32, #tpu.memory_space<vmem>>) target(%dma_start3A_325 : memref<128x128xf32, #tpu.memory_space<hbm>>) target_semaphore(%run_scoped3A : memref<!tpu.dma_semaphore, #tpu.memory_space<semaphore_mem>>)
      %dma_wait3A_329 = arith.constant 256 : i32
      %dma_wait3A_330 = arith.constant 0 : i32
      %dma_wait3A_331 = tpu.memref_slice %arg6[%dma_wait3A_329, %dma_wait3A_330] : memref<512x128xf32, #tpu.memory_space<vmem>> -> memref<128x128xf32, #tpu.memory_space<vmem>>
      %dma_wait3A_332 = arith.constant 0 : i32
      %dma_wait3A_333 = tpu.memref_slice %arg4[%add3A_314, %dma_wait3A_332] : memref<65536x128xf32, #tpu.memory_space<hbm>> -> memref<128x128xf32, #tpu.memory_space<hbm>>
      %dma_wait3A_334 = arith.constant 0 : i32
      %dma_wait3A_335 = tpu.memref_slice %arg4[%add3A_314, %dma_wait3A_334] : memref<65536x128xf32, #tpu.memory_space<hbm>> -> memref<128x128xf32, #tpu.memory_space<hbm>>
      %dma_wait3A_336 = arith.constant 256 : i32
      %dma_wait3A_337 = arith.constant 0 : i32
      %dma_wait3A_338 = tpu.memref_slice %arg6[%dma_wait3A_336, %dma_wait3A_337] : memref<512x128xf32, #tpu.memory_space<vmem>> -> memref<128x128xf32, #tpu.memory_space<vmem>>
      tpu.wait_dma2 semaphore(%run_scoped3A : memref<!tpu.dma_semaphore, #tpu.memory_space<semaphore_mem>>) src(%dma_wait3A_338 : memref<128x128xf32, #tpu.memory_space<vmem>>) dst(%dma_wait3A_335 : memref<128x128xf32, #tpu.memory_space<hbm>>)
      tpu.yield
    }) : () -> ()
    %mul3A_315 = arith.constant 2048 : i32
    %mul3A_316 = arith.muli %add3A, %mul3A_315 : i32
    %add3A_317 = arith.constant 1920 : i32
    %add3A_318 = arith.addi %mul3A_316, %add3A_317 : i32
    "tpu.region"() ({
      %run_scoped3A = tpu.sem_alloc : memref<!tpu.dma_semaphore, #tpu.memory_space<semaphore_mem>>
      %dma_start3A_319 = arith.constant 384 : i32
      %dma_start3A_320 = arith.constant 0 : i32
      %dma_start3A_321 = tpu.memref_slice %arg6[%dma_start3A_319, %dma_start3A_320] : memref<512x128xf32, #tpu.memory_space<vmem>> -> memref<128x128xf32, #tpu.memory_space<vmem>>
      %dma_start3A_322 = arith.constant 0 : i32
      %dma_start3A_323 = tpu.memref_slice %arg4[%add3A_318, %dma_start3A_322] : memref<65536x128xf32, #tpu.memory_space<hbm>> -> memref<128x128xf32, #tpu.memory_space<hbm>>
      %dma_start3A_324 = arith.constant 0 : i32
      %dma_start3A_325 = tpu.memref_slice %arg4[%add3A_318, %dma_start3A_324] : memref<65536x128xf32, #tpu.memory_space<hbm>> -> memref<128x128xf32, #tpu.memory_space<hbm>>
      %dma_start3A_326 = arith.constant 384 : i32
      %dma_start3A_327 = arith.constant 0 : i32
      %dma_start3A_328 = tpu.memref_slice %arg6[%dma_start3A_326, %dma_start3A_327] : memref<512x128xf32, #tpu.memory_space<vmem>> -> memref<128x128xf32, #tpu.memory_space<vmem>>
      tpu.enqueue_dma source(%dma_start3A_328 : memref<128x128xf32, #tpu.memory_space<vmem>>) target(%dma_start3A_325 : memref<128x128xf32, #tpu.memory_space<hbm>>) target_semaphore(%run_scoped3A : memref<!tpu.dma_semaphore, #tpu.memory_space<semaphore_mem>>)
      %dma_wait3A_329 = arith.constant 384 : i32
      %dma_wait3A_330 = arith.constant 0 : i32
      %dma_wait3A_331 = tpu.memref_slice %arg6[%dma_wait3A_329, %dma_wait3A_330] : memref<512x128xf32, #tpu.memory_space<vmem>> -> memref<128x128xf32, #tpu.memory_space<vmem>>
      %dma_wait3A_332 = arith.constant 0 : i32
      %dma_wait3A_333 = tpu.memref_slice %arg4[%add3A_318, %dma_wait3A_332] : memref<65536x128xf32, #tpu.memory_space<hbm>> -> memref<128x128xf32, #tpu.memory_space<hbm>>
      %dma_wait3A_334 = arith.constant 0 : i32
      %dma_wait3A_335 = tpu.memref_slice %arg4[%add3A_318, %dma_wait3A_334] : memref<65536x128xf32, #tpu.memory_space<hbm>> -> memref<128x128xf32, #tpu.memory_space<hbm>>
      %dma_wait3A_336 = arith.constant 384 : i32
      %dma_wait3A_337 = arith.constant 0 : i32
      %dma_wait3A_338 = tpu.memref_slice %arg6[%dma_wait3A_336, %dma_wait3A_337] : memref<512x128xf32, #tpu.memory_space<vmem>> -> memref<128x128xf32, #tpu.memory_space<vmem>>
      tpu.wait_dma2 semaphore(%run_scoped3A : memref<!tpu.dma_semaphore, #tpu.memory_space<semaphore_mem>>) src(%dma_wait3A_338 : memref<128x128xf32, #tpu.memory_space<vmem>>) dst(%dma_wait3A_335 : memref<128x128xf32, #tpu.memory_space<hbm>>)
      tpu.yield
    }) : () -> ()
    return
  }
}

module attributes {stable_mosaic.version = 14 : i64} {
  func.func @mlp_k(%arg0: i32, %arg1: memref<16x256x128xf32, #tpu.memory_space<vmem>>, %arg2: memref<16x256x1xf32, #tpu.memory_space<vmem>>, %arg3: memref<64x512xf32, #tpu.memory_space<vmem>>, %arg4: memref<1x512xf32, #tpu.memory_space<vmem>>, %arg5: memref<512x128xf32, #tpu.memory_space<vmem>>, %arg6: memref<1x128xf32, #tpu.memory_space<vmem>>, %arg7: memref<256x128xf32, #tpu.memory_space<vmem>>) attributes {dimension_semantics = [#tpu.dimension_semantics<arbitrary>], iteration_bounds = array<i64: 16>, scalar_prefetch = 0 : i64, scratch_operands = 0 : i64, tpu.core_type = #tpu.core_type<tc>, window_params = [{transform_indices = @transform_0, window_bounds = array<i64: 16, 256, 128>}, {transform_indices = @transform_1, window_bounds = array<i64: 16, 256, 1>}, {pipeline_mode = #tpu.pipeline_mode<synchronous>, transform_indices = @transform_2, window_bounds = array<i64: 64, 512>}, {pipeline_mode = #tpu.pipeline_mode<synchronous>, transform_indices = @transform_3, window_bounds = array<i64: 1, 512>}, {pipeline_mode = #tpu.pipeline_mode<synchronous>, transform_indices = @transform_4, window_bounds = array<i64: 512, 128>}, {pipeline_mode = #tpu.pipeline_mode<synchronous>, transform_indices = @transform_5, window_bounds = array<i64: 1, 128>}, {transform_indices = @transform_6, window_bounds = array<i64: 256, 128>}]} {
    %get3A = arith.constant 0 : index
    %get3A_0 = arith.constant 0 : index
    %get3A_1 = vector.load %arg3[%get3A, %get3A_0] : memref<64x512xf32, #tpu.memory_space<vmem>>, vector<64x512xf32>
    %convert_element_type3A = arith.truncf %get3A_1 : vector<64x512xf32> to vector<64x512xbf16>
    %get3A_2 = arith.constant 0 : index
    %get3A_3 = arith.constant 0 : index
    %get3A_4 = arith.constant 0 : index
    %get3A_5 = vector.load %arg1[%get3A_2, %get3A_3, %get3A_4] : memref<16x256x128xf32, #tpu.memory_space<vmem>>, vector<1x256x128xf32>
    %get3A_6 = vector.shape_cast %get3A_5 : vector<1x256x128xf32> to vector<256x128xf32>
    %get3A_7 = arith.constant 0 : index
    %get3A_8 = arith.constant 0 : index
    %get3A_9 = arith.constant 0 : index
    %get3A_10 = vector.load %arg2[%get3A_7, %get3A_8, %get3A_9] : memref<16x256x1xf32, #tpu.memory_space<vmem>>, vector<1x256x1xf32>
    %get3A_11 = vector.shape_cast %get3A_10 : vector<1x256x1xf32> to vector<256x1xf32>
    %gt3A = arith.constant 5.000000e-01 : f32
    %gt3A_12 = vector.broadcast %gt3A : f32 to vector<256x1xf32>
    %gt3A_13 = arith.cmpf ogt, %get3A_11, %gt3A_12 : vector<256x1xf32>
    %slice3A = vector.extract_strided_slice %get3A_6 {offsets = [0, 64], sizes = [256, 64], strides = [1, 1]} : vector<256x128xf32> to vector<256x64xf32>
    %slice3A_14 = vector.extract_strided_slice %get3A_6 {offsets = [0, 0], sizes = [256, 64], strides = [1, 1]} : vector<256x128xf32> to vector<256x64xf32>
    %broadcast_in_dim3A = vector.shape_cast %gt3A_13 : vector<256x1xi1> to vector<256x1xi1>
    %broadcast_in_dim3A_15 = vector.broadcast %broadcast_in_dim3A : vector<256x1xi1> to vector<256x64xi1>
    %select_n3A = arith.select %broadcast_in_dim3A_15, %slice3A, %slice3A_14 : vector<256x64xi1>, vector<256x64xf32>
    %convert_element_type3A_16 = arith.truncf %select_n3A : vector<256x64xf32> to vector<256x64xbf16>
    %dot_general3A = arith.constant dense<0.000000e+00> : vector<256x512xf32>
    %dot_general3A_17 = tpu.matmul %convert_element_type3A_16, %convert_element_type3A, %dot_general3A {dimension_numbers = #tpu.dot_dimension_numbers<[1], [0], [0], [1], [0, 0, 1, 1], [], []>, transpose_lhs_hint = false} : vector<256x64xbf16>, vector<64x512xbf16>, vector<256x512xf32> -> vector<256x512xf32>
    %get3A_18 = arith.constant 1 : index
    %get3A_19 = arith.constant 0 : index
    %get3A_20 = arith.constant 0 : index
    %get3A_21 = vector.load %arg1[%get3A_18, %get3A_19, %get3A_20] : memref<16x256x128xf32, #tpu.memory_space<vmem>>, vector<1x256x128xf32>
    %get3A_22 = vector.shape_cast %get3A_21 : vector<1x256x128xf32> to vector<256x128xf32>
    %get3A_23 = arith.constant 1 : index
    %get3A_24 = arith.constant 0 : index
    %get3A_25 = arith.constant 0 : index
    %get3A_26 = vector.load %arg2[%get3A_23, %get3A_24, %get3A_25] : memref<16x256x1xf32, #tpu.memory_space<vmem>>, vector<1x256x1xf32>
    %get3A_27 = vector.shape_cast %get3A_26 : vector<1x256x1xf32> to vector<256x1xf32>
    %gt3A_28 = arith.constant 5.000000e-01 : f32
    %gt3A_29 = vector.broadcast %gt3A_28 : f32 to vector<256x1xf32>
    %gt3A_30 = arith.cmpf ogt, %get3A_27, %gt3A_29 : vector<256x1xf32>
    %slice3A_31 = vector.extract_strided_slice %get3A_22 {offsets = [0, 64], sizes = [256, 64], strides = [1, 1]} : vector<256x128xf32> to vector<256x64xf32>
    %slice3A_32 = vector.extract_strided_slice %get3A_22 {offsets = [0, 0], sizes = [256, 64], strides = [1, 1]} : vector<256x128xf32> to vector<256x64xf32>
    %broadcast_in_dim3A_33 = vector.shape_cast %gt3A_30 : vector<256x1xi1> to vector<256x1xi1>
    %broadcast_in_dim3A_34 = vector.broadcast %broadcast_in_dim3A_33 : vector<256x1xi1> to vector<256x64xi1>
    %select_n3A_35 = arith.select %broadcast_in_dim3A_34, %slice3A_31, %slice3A_32 : vector<256x64xi1>, vector<256x64xf32>
    %convert_element_type3A_36 = arith.truncf %select_n3A_35 : vector<256x64xf32> to vector<256x64xbf16>
    %dot_general3A_37 = arith.constant dense<0.000000e+00> : vector<256x512xf32>
    %dot_general3A_38 = tpu.matmul %convert_element_type3A_36, %convert_element_type3A, %dot_general3A_37 {dimension_numbers = #tpu.dot_dimension_numbers<[1], [0], [0], [1], [0, 0, 1, 1], [], []>, transpose_lhs_hint = false} : vector<256x64xbf16>, vector<64x512xbf16>, vector<256x512xf32> -> vector<256x512xf32>
    %max3A = arith.maximumf %dot_general3A_17, %dot_general3A_38 : vector<256x512xf32>
    %get3A_39 = arith.constant 2 : index
    %get3A_40 = arith.constant 0 : index
    %get3A_41 = arith.constant 0 : index
    %get3A_42 = vector.load %arg1[%get3A_39, %get3A_40, %get3A_41] : memref<16x256x128xf32, #tpu.memory_space<vmem>>, vector<1x256x128xf32>
    %get3A_43 = vector.shape_cast %get3A_42 : vector<1x256x128xf32> to vector<256x128xf32>
    %get3A_44 = arith.constant 2 : index
    %get3A_45 = arith.constant 0 : index
    %get3A_46 = arith.constant 0 : index
    %get3A_47 = vector.load %arg2[%get3A_44, %get3A_45, %get3A_46] : memref<16x256x1xf32, #tpu.memory_space<vmem>>, vector<1x256x1xf32>
    %get3A_48 = vector.shape_cast %get3A_47 : vector<1x256x1xf32> to vector<256x1xf32>
    %gt3A_49 = arith.constant 5.000000e-01 : f32
    %gt3A_50 = vector.broadcast %gt3A_49 : f32 to vector<256x1xf32>
    %gt3A_51 = arith.cmpf ogt, %get3A_48, %gt3A_50 : vector<256x1xf32>
    %slice3A_52 = vector.extract_strided_slice %get3A_43 {offsets = [0, 64], sizes = [256, 64], strides = [1, 1]} : vector<256x128xf32> to vector<256x64xf32>
    %slice3A_53 = vector.extract_strided_slice %get3A_43 {offsets = [0, 0], sizes = [256, 64], strides = [1, 1]} : vector<256x128xf32> to vector<256x64xf32>
    %broadcast_in_dim3A_54 = vector.shape_cast %gt3A_51 : vector<256x1xi1> to vector<256x1xi1>
    %broadcast_in_dim3A_55 = vector.broadcast %broadcast_in_dim3A_54 : vector<256x1xi1> to vector<256x64xi1>
    %select_n3A_56 = arith.select %broadcast_in_dim3A_55, %slice3A_52, %slice3A_53 : vector<256x64xi1>, vector<256x64xf32>
    %convert_element_type3A_57 = arith.truncf %select_n3A_56 : vector<256x64xf32> to vector<256x64xbf16>
    %dot_general3A_58 = arith.constant dense<0.000000e+00> : vector<256x512xf32>
    %dot_general3A_59 = tpu.matmul %convert_element_type3A_57, %convert_element_type3A, %dot_general3A_58 {dimension_numbers = #tpu.dot_dimension_numbers<[1], [0], [0], [1], [0, 0, 1, 1], [], []>, transpose_lhs_hint = false} : vector<256x64xbf16>, vector<64x512xbf16>, vector<256x512xf32> -> vector<256x512xf32>
    %max3A_60 = arith.maximumf %max3A, %dot_general3A_59 : vector<256x512xf32>
    %get3A_61 = arith.constant 3 : index
    %get3A_62 = arith.constant 0 : index
    %get3A_63 = arith.constant 0 : index
    %get3A_64 = vector.load %arg1[%get3A_61, %get3A_62, %get3A_63] : memref<16x256x128xf32, #tpu.memory_space<vmem>>, vector<1x256x128xf32>
    %get3A_65 = vector.shape_cast %get3A_64 : vector<1x256x128xf32> to vector<256x128xf32>
    %get3A_66 = arith.constant 3 : index
    %get3A_67 = arith.constant 0 : index
    %get3A_68 = arith.constant 0 : index
    %get3A_69 = vector.load %arg2[%get3A_66, %get3A_67, %get3A_68] : memref<16x256x1xf32, #tpu.memory_space<vmem>>, vector<1x256x1xf32>
    %get3A_70 = vector.shape_cast %get3A_69 : vector<1x256x1xf32> to vector<256x1xf32>
    %gt3A_71 = arith.constant 5.000000e-01 : f32
    %gt3A_72 = vector.broadcast %gt3A_71 : f32 to vector<256x1xf32>
    %gt3A_73 = arith.cmpf ogt, %get3A_70, %gt3A_72 : vector<256x1xf32>
    %slice3A_74 = vector.extract_strided_slice %get3A_65 {offsets = [0, 64], sizes = [256, 64], strides = [1, 1]} : vector<256x128xf32> to vector<256x64xf32>
    %slice3A_75 = vector.extract_strided_slice %get3A_65 {offsets = [0, 0], sizes = [256, 64], strides = [1, 1]} : vector<256x128xf32> to vector<256x64xf32>
    %broadcast_in_dim3A_76 = vector.shape_cast %gt3A_73 : vector<256x1xi1> to vector<256x1xi1>
    %broadcast_in_dim3A_77 = vector.broadcast %broadcast_in_dim3A_76 : vector<256x1xi1> to vector<256x64xi1>
    %select_n3A_78 = arith.select %broadcast_in_dim3A_77, %slice3A_74, %slice3A_75 : vector<256x64xi1>, vector<256x64xf32>
    %convert_element_type3A_79 = arith.truncf %select_n3A_78 : vector<256x64xf32> to vector<256x64xbf16>
    %dot_general3A_80 = arith.constant dense<0.000000e+00> : vector<256x512xf32>
    %dot_general3A_81 = tpu.matmul %convert_element_type3A_79, %convert_element_type3A, %dot_general3A_80 {dimension_numbers = #tpu.dot_dimension_numbers<[1], [0], [0], [1], [0, 0, 1, 1], [], []>, transpose_lhs_hint = false} : vector<256x64xbf16>, vector<64x512xbf16>, vector<256x512xf32> -> vector<256x512xf32>
    %max3A_82 = arith.maximumf %max3A_60, %dot_general3A_81 : vector<256x512xf32>
    %get3A_83 = arith.constant 4 : index
    %get3A_84 = arith.constant 0 : index
    %get3A_85 = arith.constant 0 : index
    %get3A_86 = vector.load %arg1[%get3A_83, %get3A_84, %get3A_85] : memref<16x256x128xf32, #tpu.memory_space<vmem>>, vector<1x256x128xf32>
    %get3A_87 = vector.shape_cast %get3A_86 : vector<1x256x128xf32> to vector<256x128xf32>
    %get3A_88 = arith.constant 4 : index
    %get3A_89 = arith.constant 0 : index
    %get3A_90 = arith.constant 0 : index
    %get3A_91 = vector.load %arg2[%get3A_88, %get3A_89, %get3A_90] : memref<16x256x1xf32, #tpu.memory_space<vmem>>, vector<1x256x1xf32>
    %get3A_92 = vector.shape_cast %get3A_91 : vector<1x256x1xf32> to vector<256x1xf32>
    %gt3A_93 = arith.constant 5.000000e-01 : f32
    %gt3A_94 = vector.broadcast %gt3A_93 : f32 to vector<256x1xf32>
    %gt3A_95 = arith.cmpf ogt, %get3A_92, %gt3A_94 : vector<256x1xf32>
    %slice3A_96 = vector.extract_strided_slice %get3A_87 {offsets = [0, 64], sizes = [256, 64], strides = [1, 1]} : vector<256x128xf32> to vector<256x64xf32>
    %slice3A_97 = vector.extract_strided_slice %get3A_87 {offsets = [0, 0], sizes = [256, 64], strides = [1, 1]} : vector<256x128xf32> to vector<256x64xf32>
    %broadcast_in_dim3A_98 = vector.shape_cast %gt3A_95 : vector<256x1xi1> to vector<256x1xi1>
    %broadcast_in_dim3A_99 = vector.broadcast %broadcast_in_dim3A_98 : vector<256x1xi1> to vector<256x64xi1>
    %select_n3A_100 = arith.select %broadcast_in_dim3A_99, %slice3A_96, %slice3A_97 : vector<256x64xi1>, vector<256x64xf32>
    %convert_element_type3A_101 = arith.truncf %select_n3A_100 : vector<256x64xf32> to vector<256x64xbf16>
    %dot_general3A_102 = arith.constant dense<0.000000e+00> : vector<256x512xf32>
    %dot_general3A_103 = tpu.matmul %convert_element_type3A_101, %convert_element_type3A, %dot_general3A_102 {dimension_numbers = #tpu.dot_dimension_numbers<[1], [0], [0], [1], [0, 0, 1, 1], [], []>, transpose_lhs_hint = false} : vector<256x64xbf16>, vector<64x512xbf16>, vector<256x512xf32> -> vector<256x512xf32>
    %max3A_104 = arith.maximumf %max3A_82, %dot_general3A_103 : vector<256x512xf32>
    %get3A_105 = arith.constant 5 : index
    %get3A_106 = arith.constant 0 : index
    %get3A_107 = arith.constant 0 : index
    %get3A_108 = vector.load %arg1[%get3A_105, %get3A_106, %get3A_107] : memref<16x256x128xf32, #tpu.memory_space<vmem>>, vector<1x256x128xf32>
    %get3A_109 = vector.shape_cast %get3A_108 : vector<1x256x128xf32> to vector<256x128xf32>
    %get3A_110 = arith.constant 5 : index
    %get3A_111 = arith.constant 0 : index
    %get3A_112 = arith.constant 0 : index
    %get3A_113 = vector.load %arg2[%get3A_110, %get3A_111, %get3A_112] : memref<16x256x1xf32, #tpu.memory_space<vmem>>, vector<1x256x1xf32>
    %get3A_114 = vector.shape_cast %get3A_113 : vector<1x256x1xf32> to vector<256x1xf32>
    %gt3A_115 = arith.constant 5.000000e-01 : f32
    %gt3A_116 = vector.broadcast %gt3A_115 : f32 to vector<256x1xf32>
    %gt3A_117 = arith.cmpf ogt, %get3A_114, %gt3A_116 : vector<256x1xf32>
    %slice3A_118 = vector.extract_strided_slice %get3A_109 {offsets = [0, 64], sizes = [256, 64], strides = [1, 1]} : vector<256x128xf32> to vector<256x64xf32>
    %slice3A_119 = vector.extract_strided_slice %get3A_109 {offsets = [0, 0], sizes = [256, 64], strides = [1, 1]} : vector<256x128xf32> to vector<256x64xf32>
    %broadcast_in_dim3A_120 = vector.shape_cast %gt3A_117 : vector<256x1xi1> to vector<256x1xi1>
    %broadcast_in_dim3A_121 = vector.broadcast %broadcast_in_dim3A_120 : vector<256x1xi1> to vector<256x64xi1>
    %select_n3A_122 = arith.select %broadcast_in_dim3A_121, %slice3A_118, %slice3A_119 : vector<256x64xi1>, vector<256x64xf32>
    %convert_element_type3A_123 = arith.truncf %select_n3A_122 : vector<256x64xf32> to vector<256x64xbf16>
    %dot_general3A_124 = arith.constant dense<0.000000e+00> : vector<256x512xf32>
    %dot_general3A_125 = tpu.matmul %convert_element_type3A_123, %convert_element_type3A, %dot_general3A_124 {dimension_numbers = #tpu.dot_dimension_numbers<[1], [0], [0], [1], [0, 0, 1, 1], [], []>, transpose_lhs_hint = false} : vector<256x64xbf16>, vector<64x512xbf16>, vector<256x512xf32> -> vector<256x512xf32>
    %max3A_126 = arith.maximumf %max3A_104, %dot_general3A_125 : vector<256x512xf32>
    %get3A_127 = arith.constant 6 : index
    %get3A_128 = arith.constant 0 : index
    %get3A_129 = arith.constant 0 : index
    %get3A_130 = vector.load %arg1[%get3A_127, %get3A_128, %get3A_129] : memref<16x256x128xf32, #tpu.memory_space<vmem>>, vector<1x256x128xf32>
    %get3A_131 = vector.shape_cast %get3A_130 : vector<1x256x128xf32> to vector<256x128xf32>
    %get3A_132 = arith.constant 6 : index
    %get3A_133 = arith.constant 0 : index
    %get3A_134 = arith.constant 0 : index
    %get3A_135 = vector.load %arg2[%get3A_132, %get3A_133, %get3A_134] : memref<16x256x1xf32, #tpu.memory_space<vmem>>, vector<1x256x1xf32>
    %get3A_136 = vector.shape_cast %get3A_135 : vector<1x256x1xf32> to vector<256x1xf32>
    %gt3A_137 = arith.constant 5.000000e-01 : f32
    %gt3A_138 = vector.broadcast %gt3A_137 : f32 to vector<256x1xf32>
    %gt3A_139 = arith.cmpf ogt, %get3A_136, %gt3A_138 : vector<256x1xf32>
    %slice3A_140 = vector.extract_strided_slice %get3A_131 {offsets = [0, 64], sizes = [256, 64], strides = [1, 1]} : vector<256x128xf32> to vector<256x64xf32>
    %slice3A_141 = vector.extract_strided_slice %get3A_131 {offsets = [0, 0], sizes = [256, 64], strides = [1, 1]} : vector<256x128xf32> to vector<256x64xf32>
    %broadcast_in_dim3A_142 = vector.shape_cast %gt3A_139 : vector<256x1xi1> to vector<256x1xi1>
    %broadcast_in_dim3A_143 = vector.broadcast %broadcast_in_dim3A_142 : vector<256x1xi1> to vector<256x64xi1>
    %select_n3A_144 = arith.select %broadcast_in_dim3A_143, %slice3A_140, %slice3A_141 : vector<256x64xi1>, vector<256x64xf32>
    %convert_element_type3A_145 = arith.truncf %select_n3A_144 : vector<256x64xf32> to vector<256x64xbf16>
    %dot_general3A_146 = arith.constant dense<0.000000e+00> : vector<256x512xf32>
    %dot_general3A_147 = tpu.matmul %convert_element_type3A_145, %convert_element_type3A, %dot_general3A_146 {dimension_numbers = #tpu.dot_dimension_numbers<[1], [0], [0], [1], [0, 0, 1, 1], [], []>, transpose_lhs_hint = false} : vector<256x64xbf16>, vector<64x512xbf16>, vector<256x512xf32> -> vector<256x512xf32>
    %max3A_148 = arith.maximumf %max3A_126, %dot_general3A_147 : vector<256x512xf32>
    %get3A_149 = arith.constant 7 : index
    %get3A_150 = arith.constant 0 : index
    %get3A_151 = arith.constant 0 : index
    %get3A_152 = vector.load %arg1[%get3A_149, %get3A_150, %get3A_151] : memref<16x256x128xf32, #tpu.memory_space<vmem>>, vector<1x256x128xf32>
    %get3A_153 = vector.shape_cast %get3A_152 : vector<1x256x128xf32> to vector<256x128xf32>
    %get3A_154 = arith.constant 7 : index
    %get3A_155 = arith.constant 0 : index
    %get3A_156 = arith.constant 0 : index
    %get3A_157 = vector.load %arg2[%get3A_154, %get3A_155, %get3A_156] : memref<16x256x1xf32, #tpu.memory_space<vmem>>, vector<1x256x1xf32>
    %get3A_158 = vector.shape_cast %get3A_157 : vector<1x256x1xf32> to vector<256x1xf32>
    %gt3A_159 = arith.constant 5.000000e-01 : f32
    %gt3A_160 = vector.broadcast %gt3A_159 : f32 to vector<256x1xf32>
    %gt3A_161 = arith.cmpf ogt, %get3A_158, %gt3A_160 : vector<256x1xf32>
    %slice3A_162 = vector.extract_strided_slice %get3A_153 {offsets = [0, 64], sizes = [256, 64], strides = [1, 1]} : vector<256x128xf32> to vector<256x64xf32>
    %slice3A_163 = vector.extract_strided_slice %get3A_153 {offsets = [0, 0], sizes = [256, 64], strides = [1, 1]} : vector<256x128xf32> to vector<256x64xf32>
    %broadcast_in_dim3A_164 = vector.shape_cast %gt3A_161 : vector<256x1xi1> to vector<256x1xi1>
    %broadcast_in_dim3A_165 = vector.broadcast %broadcast_in_dim3A_164 : vector<256x1xi1> to vector<256x64xi1>
    %select_n3A_166 = arith.select %broadcast_in_dim3A_165, %slice3A_162, %slice3A_163 : vector<256x64xi1>, vector<256x64xf32>
    %convert_element_type3A_167 = arith.truncf %select_n3A_166 : vector<256x64xf32> to vector<256x64xbf16>
    %dot_general3A_168 = arith.constant dense<0.000000e+00> : vector<256x512xf32>
    %dot_general3A_169 = tpu.matmul %convert_element_type3A_167, %convert_element_type3A, %dot_general3A_168 {dimension_numbers = #tpu.dot_dimension_numbers<[1], [0], [0], [1], [0, 0, 1, 1], [], []>, transpose_lhs_hint = false} : vector<256x64xbf16>, vector<64x512xbf16>, vector<256x512xf32> -> vector<256x512xf32>
    %max3A_170 = arith.maximumf %max3A_148, %dot_general3A_169 : vector<256x512xf32>
    %get3A_171 = arith.constant 8 : index
    %get3A_172 = arith.constant 0 : index
    %get3A_173 = arith.constant 0 : index
    %get3A_174 = vector.load %arg1[%get3A_171, %get3A_172, %get3A_173] : memref<16x256x128xf32, #tpu.memory_space<vmem>>, vector<1x256x128xf32>
    %get3A_175 = vector.shape_cast %get3A_174 : vector<1x256x128xf32> to vector<256x128xf32>
    %get3A_176 = arith.constant 8 : index
    %get3A_177 = arith.constant 0 : index
    %get3A_178 = arith.constant 0 : index
    %get3A_179 = vector.load %arg2[%get3A_176, %get3A_177, %get3A_178] : memref<16x256x1xf32, #tpu.memory_space<vmem>>, vector<1x256x1xf32>
    %get3A_180 = vector.shape_cast %get3A_179 : vector<1x256x1xf32> to vector<256x1xf32>
    %gt3A_181 = arith.constant 5.000000e-01 : f32
    %gt3A_182 = vector.broadcast %gt3A_181 : f32 to vector<256x1xf32>
    %gt3A_183 = arith.cmpf ogt, %get3A_180, %gt3A_182 : vector<256x1xf32>
    %slice3A_184 = vector.extract_strided_slice %get3A_175 {offsets = [0, 64], sizes = [256, 64], strides = [1, 1]} : vector<256x128xf32> to vector<256x64xf32>
    %slice3A_185 = vector.extract_strided_slice %get3A_175 {offsets = [0, 0], sizes = [256, 64], strides = [1, 1]} : vector<256x128xf32> to vector<256x64xf32>
    %broadcast_in_dim3A_186 = vector.shape_cast %gt3A_183 : vector<256x1xi1> to vector<256x1xi1>
    %broadcast_in_dim3A_187 = vector.broadcast %broadcast_in_dim3A_186 : vector<256x1xi1> to vector<256x64xi1>
    %select_n3A_188 = arith.select %broadcast_in_dim3A_187, %slice3A_184, %slice3A_185 : vector<256x64xi1>, vector<256x64xf32>
    %convert_element_type3A_189 = arith.truncf %select_n3A_188 : vector<256x64xf32> to vector<256x64xbf16>
    %dot_general3A_190 = arith.constant dense<0.000000e+00> : vector<256x512xf32>
    %dot_general3A_191 = tpu.matmul %convert_element_type3A_189, %convert_element_type3A, %dot_general3A_190 {dimension_numbers = #tpu.dot_dimension_numbers<[1], [0], [0], [1], [0, 0, 1, 1], [], []>, transpose_lhs_hint = false} : vector<256x64xbf16>, vector<64x512xbf16>, vector<256x512xf32> -> vector<256x512xf32>
    %max3A_192 = arith.maximumf %max3A_170, %dot_general3A_191 : vector<256x512xf32>
    %get3A_193 = arith.constant 9 : index
    %get3A_194 = arith.constant 0 : index
    %get3A_195 = arith.constant 0 : index
    %get3A_196 = vector.load %arg1[%get3A_193, %get3A_194, %get3A_195] : memref<16x256x128xf32, #tpu.memory_space<vmem>>, vector<1x256x128xf32>
    %get3A_197 = vector.shape_cast %get3A_196 : vector<1x256x128xf32> to vector<256x128xf32>
    %get3A_198 = arith.constant 9 : index
    %get3A_199 = arith.constant 0 : index
    %get3A_200 = arith.constant 0 : index
    %get3A_201 = vector.load %arg2[%get3A_198, %get3A_199, %get3A_200] : memref<16x256x1xf32, #tpu.memory_space<vmem>>, vector<1x256x1xf32>
    %get3A_202 = vector.shape_cast %get3A_201 : vector<1x256x1xf32> to vector<256x1xf32>
    %gt3A_203 = arith.constant 5.000000e-01 : f32
    %gt3A_204 = vector.broadcast %gt3A_203 : f32 to vector<256x1xf32>
    %gt3A_205 = arith.cmpf ogt, %get3A_202, %gt3A_204 : vector<256x1xf32>
    %slice3A_206 = vector.extract_strided_slice %get3A_197 {offsets = [0, 64], sizes = [256, 64], strides = [1, 1]} : vector<256x128xf32> to vector<256x64xf32>
    %slice3A_207 = vector.extract_strided_slice %get3A_197 {offsets = [0, 0], sizes = [256, 64], strides = [1, 1]} : vector<256x128xf32> to vector<256x64xf32>
    %broadcast_in_dim3A_208 = vector.shape_cast %gt3A_205 : vector<256x1xi1> to vector<256x1xi1>
    %broadcast_in_dim3A_209 = vector.broadcast %broadcast_in_dim3A_208 : vector<256x1xi1> to vector<256x64xi1>
    %select_n3A_210 = arith.select %broadcast_in_dim3A_209, %slice3A_206, %slice3A_207 : vector<256x64xi1>, vector<256x64xf32>
    %convert_element_type3A_211 = arith.truncf %select_n3A_210 : vector<256x64xf32> to vector<256x64xbf16>
    %dot_general3A_212 = arith.constant dense<0.000000e+00> : vector<256x512xf32>
    %dot_general3A_213 = tpu.matmul %convert_element_type3A_211, %convert_element_type3A, %dot_general3A_212 {dimension_numbers = #tpu.dot_dimension_numbers<[1], [0], [0], [1], [0, 0, 1, 1], [], []>, transpose_lhs_hint = false} : vector<256x64xbf16>, vector<64x512xbf16>, vector<256x512xf32> -> vector<256x512xf32>
    %max3A_214 = arith.maximumf %max3A_192, %dot_general3A_213 : vector<256x512xf32>
    %get3A_215 = arith.constant 10 : index
    %get3A_216 = arith.constant 0 : index
    %get3A_217 = arith.constant 0 : index
    %get3A_218 = vector.load %arg1[%get3A_215, %get3A_216, %get3A_217] : memref<16x256x128xf32, #tpu.memory_space<vmem>>, vector<1x256x128xf32>
    %get3A_219 = vector.shape_cast %get3A_218 : vector<1x256x128xf32> to vector<256x128xf32>
    %get3A_220 = arith.constant 10 : index
    %get3A_221 = arith.constant 0 : index
    %get3A_222 = arith.constant 0 : index
    %get3A_223 = vector.load %arg2[%get3A_220, %get3A_221, %get3A_222] : memref<16x256x1xf32, #tpu.memory_space<vmem>>, vector<1x256x1xf32>
    %get3A_224 = vector.shape_cast %get3A_223 : vector<1x256x1xf32> to vector<256x1xf32>
    %gt3A_225 = arith.constant 5.000000e-01 : f32
    %gt3A_226 = vector.broadcast %gt3A_225 : f32 to vector<256x1xf32>
    %gt3A_227 = arith.cmpf ogt, %get3A_224, %gt3A_226 : vector<256x1xf32>
    %slice3A_228 = vector.extract_strided_slice %get3A_219 {offsets = [0, 64], sizes = [256, 64], strides = [1, 1]} : vector<256x128xf32> to vector<256x64xf32>
    %slice3A_229 = vector.extract_strided_slice %get3A_219 {offsets = [0, 0], sizes = [256, 64], strides = [1, 1]} : vector<256x128xf32> to vector<256x64xf32>
    %broadcast_in_dim3A_230 = vector.shape_cast %gt3A_227 : vector<256x1xi1> to vector<256x1xi1>
    %broadcast_in_dim3A_231 = vector.broadcast %broadcast_in_dim3A_230 : vector<256x1xi1> to vector<256x64xi1>
    %select_n3A_232 = arith.select %broadcast_in_dim3A_231, %slice3A_228, %slice3A_229 : vector<256x64xi1>, vector<256x64xf32>
    %convert_element_type3A_233 = arith.truncf %select_n3A_232 : vector<256x64xf32> to vector<256x64xbf16>
    %dot_general3A_234 = arith.constant dense<0.000000e+00> : vector<256x512xf32>
    %dot_general3A_235 = tpu.matmul %convert_element_type3A_233, %convert_element_type3A, %dot_general3A_234 {dimension_numbers = #tpu.dot_dimension_numbers<[1], [0], [0], [1], [0, 0, 1, 1], [], []>, transpose_lhs_hint = false} : vector<256x64xbf16>, vector<64x512xbf16>, vector<256x512xf32> -> vector<256x512xf32>
    %max3A_236 = arith.maximumf %max3A_214, %dot_general3A_235 : vector<256x512xf32>
    %get3A_237 = arith.constant 11 : index
    %get3A_238 = arith.constant 0 : index
    %get3A_239 = arith.constant 0 : index
    %get3A_240 = vector.load %arg1[%get3A_237, %get3A_238, %get3A_239] : memref<16x256x128xf32, #tpu.memory_space<vmem>>, vector<1x256x128xf32>
    %get3A_241 = vector.shape_cast %get3A_240 : vector<1x256x128xf32> to vector<256x128xf32>
    %get3A_242 = arith.constant 11 : index
    %get3A_243 = arith.constant 0 : index
    %get3A_244 = arith.constant 0 : index
    %get3A_245 = vector.load %arg2[%get3A_242, %get3A_243, %get3A_244] : memref<16x256x1xf32, #tpu.memory_space<vmem>>, vector<1x256x1xf32>
    %get3A_246 = vector.shape_cast %get3A_245 : vector<1x256x1xf32> to vector<256x1xf32>
    %gt3A_247 = arith.constant 5.000000e-01 : f32
    %gt3A_248 = vector.broadcast %gt3A_247 : f32 to vector<256x1xf32>
    %gt3A_249 = arith.cmpf ogt, %get3A_246, %gt3A_248 : vector<256x1xf32>
    %slice3A_250 = vector.extract_strided_slice %get3A_241 {offsets = [0, 64], sizes = [256, 64], strides = [1, 1]} : vector<256x128xf32> to vector<256x64xf32>
    %slice3A_251 = vector.extract_strided_slice %get3A_241 {offsets = [0, 0], sizes = [256, 64], strides = [1, 1]} : vector<256x128xf32> to vector<256x64xf32>
    %broadcast_in_dim3A_252 = vector.shape_cast %gt3A_249 : vector<256x1xi1> to vector<256x1xi1>
    %broadcast_in_dim3A_253 = vector.broadcast %broadcast_in_dim3A_252 : vector<256x1xi1> to vector<256x64xi1>
    %select_n3A_254 = arith.select %broadcast_in_dim3A_253, %slice3A_250, %slice3A_251 : vector<256x64xi1>, vector<256x64xf32>
    %convert_element_type3A_255 = arith.truncf %select_n3A_254 : vector<256x64xf32> to vector<256x64xbf16>
    %dot_general3A_256 = arith.constant dense<0.000000e+00> : vector<256x512xf32>
    %dot_general3A_257 = tpu.matmul %convert_element_type3A_255, %convert_element_type3A, %dot_general3A_256 {dimension_numbers = #tpu.dot_dimension_numbers<[1], [0], [0], [1], [0, 0, 1, 1], [], []>, transpose_lhs_hint = false} : vector<256x64xbf16>, vector<64x512xbf16>, vector<256x512xf32> -> vector<256x512xf32>
    %max3A_258 = arith.maximumf %max3A_236, %dot_general3A_257 : vector<256x512xf32>
    %get3A_259 = arith.constant 12 : index
    %get3A_260 = arith.constant 0 : index
    %get3A_261 = arith.constant 0 : index
    %get3A_262 = vector.load %arg1[%get3A_259, %get3A_260, %get3A_261] : memref<16x256x128xf32, #tpu.memory_space<vmem>>, vector<1x256x128xf32>
    %get3A_263 = vector.shape_cast %get3A_262 : vector<1x256x128xf32> to vector<256x128xf32>
    %get3A_264 = arith.constant 12 : index
    %get3A_265 = arith.constant 0 : index
    %get3A_266 = arith.constant 0 : index
    %get3A_267 = vector.load %arg2[%get3A_264, %get3A_265, %get3A_266] : memref<16x256x1xf32, #tpu.memory_space<vmem>>, vector<1x256x1xf32>
    %get3A_268 = vector.shape_cast %get3A_267 : vector<1x256x1xf32> to vector<256x1xf32>
    %gt3A_269 = arith.constant 5.000000e-01 : f32
    %gt3A_270 = vector.broadcast %gt3A_269 : f32 to vector<256x1xf32>
    %gt3A_271 = arith.cmpf ogt, %get3A_268, %gt3A_270 : vector<256x1xf32>
    %slice3A_272 = vector.extract_strided_slice %get3A_263 {offsets = [0, 64], sizes = [256, 64], strides = [1, 1]} : vector<256x128xf32> to vector<256x64xf32>
    %slice3A_273 = vector.extract_strided_slice %get3A_263 {offsets = [0, 0], sizes = [256, 64], strides = [1, 1]} : vector<256x128xf32> to vector<256x64xf32>
    %broadcast_in_dim3A_274 = vector.shape_cast %gt3A_271 : vector<256x1xi1> to vector<256x1xi1>
    %broadcast_in_dim3A_275 = vector.broadcast %broadcast_in_dim3A_274 : vector<256x1xi1> to vector<256x64xi1>
    %select_n3A_276 = arith.select %broadcast_in_dim3A_275, %slice3A_272, %slice3A_273 : vector<256x64xi1>, vector<256x64xf32>
    %convert_element_type3A_277 = arith.truncf %select_n3A_276 : vector<256x64xf32> to vector<256x64xbf16>
    %dot_general3A_278 = arith.constant dense<0.000000e+00> : vector<256x512xf32>
    %dot_general3A_279 = tpu.matmul %convert_element_type3A_277, %convert_element_type3A, %dot_general3A_278 {dimension_numbers = #tpu.dot_dimension_numbers<[1], [0], [0], [1], [0, 0, 1, 1], [], []>, transpose_lhs_hint = false} : vector<256x64xbf16>, vector<64x512xbf16>, vector<256x512xf32> -> vector<256x512xf32>
    %max3A_280 = arith.maximumf %max3A_258, %dot_general3A_279 : vector<256x512xf32>
    %get3A_281 = arith.constant 13 : index
    %get3A_282 = arith.constant 0 : index
    %get3A_283 = arith.constant 0 : index
    %get3A_284 = vector.load %arg1[%get3A_281, %get3A_282, %get3A_283] : memref<16x256x128xf32, #tpu.memory_space<vmem>>, vector<1x256x128xf32>
    %get3A_285 = vector.shape_cast %get3A_284 : vector<1x256x128xf32> to vector<256x128xf32>
    %get3A_286 = arith.constant 13 : index
    %get3A_287 = arith.constant 0 : index
    %get3A_288 = arith.constant 0 : index
    %get3A_289 = vector.load %arg2[%get3A_286, %get3A_287, %get3A_288] : memref<16x256x1xf32, #tpu.memory_space<vmem>>, vector<1x256x1xf32>
    %get3A_290 = vector.shape_cast %get3A_289 : vector<1x256x1xf32> to vector<256x1xf32>
    %gt3A_291 = arith.constant 5.000000e-01 : f32
    %gt3A_292 = vector.broadcast %gt3A_291 : f32 to vector<256x1xf32>
    %gt3A_293 = arith.cmpf ogt, %get3A_290, %gt3A_292 : vector<256x1xf32>
    %slice3A_294 = vector.extract_strided_slice %get3A_285 {offsets = [0, 64], sizes = [256, 64], strides = [1, 1]} : vector<256x128xf32> to vector<256x64xf32>
    %slice3A_295 = vector.extract_strided_slice %get3A_285 {offsets = [0, 0], sizes = [256, 64], strides = [1, 1]} : vector<256x128xf32> to vector<256x64xf32>
    %broadcast_in_dim3A_296 = vector.shape_cast %gt3A_293 : vector<256x1xi1> to vector<256x1xi1>
    %broadcast_in_dim3A_297 = vector.broadcast %broadcast_in_dim3A_296 : vector<256x1xi1> to vector<256x64xi1>
    %select_n3A_298 = arith.select %broadcast_in_dim3A_297, %slice3A_294, %slice3A_295 : vector<256x64xi1>, vector<256x64xf32>
    %convert_element_type3A_299 = arith.truncf %select_n3A_298 : vector<256x64xf32> to vector<256x64xbf16>
    %dot_general3A_300 = arith.constant dense<0.000000e+00> : vector<256x512xf32>
    %dot_general3A_301 = tpu.matmul %convert_element_type3A_299, %convert_element_type3A, %dot_general3A_300 {dimension_numbers = #tpu.dot_dimension_numbers<[1], [0], [0], [1], [0, 0, 1, 1], [], []>, transpose_lhs_hint = false} : vector<256x64xbf16>, vector<64x512xbf16>, vector<256x512xf32> -> vector<256x512xf32>
    %max3A_302 = arith.maximumf %max3A_280, %dot_general3A_301 : vector<256x512xf32>
    %get3A_303 = arith.constant 14 : index
    %get3A_304 = arith.constant 0 : index
    %get3A_305 = arith.constant 0 : index
    %get3A_306 = vector.load %arg1[%get3A_303, %get3A_304, %get3A_305] : memref<16x256x128xf32, #tpu.memory_space<vmem>>, vector<1x256x128xf32>
    %get3A_307 = vector.shape_cast %get3A_306 : vector<1x256x128xf32> to vector<256x128xf32>
    %get3A_308 = arith.constant 14 : index
    %get3A_309 = arith.constant 0 : index
    %get3A_310 = arith.constant 0 : index
    %get3A_311 = vector.load %arg2[%get3A_308, %get3A_309, %get3A_310] : memref<16x256x1xf32, #tpu.memory_space<vmem>>, vector<1x256x1xf32>
    %get3A_312 = vector.shape_cast %get3A_311 : vector<1x256x1xf32> to vector<256x1xf32>
    %gt3A_313 = arith.constant 5.000000e-01 : f32
    %gt3A_314 = vector.broadcast %gt3A_313 : f32 to vector<256x1xf32>
    %gt3A_315 = arith.cmpf ogt, %get3A_312, %gt3A_314 : vector<256x1xf32>
    %slice3A_316 = vector.extract_strided_slice %get3A_307 {offsets = [0, 64], sizes = [256, 64], strides = [1, 1]} : vector<256x128xf32> to vector<256x64xf32>
    %slice3A_317 = vector.extract_strided_slice %get3A_307 {offsets = [0, 0], sizes = [256, 64], strides = [1, 1]} : vector<256x128xf32> to vector<256x64xf32>
    %broadcast_in_dim3A_318 = vector.shape_cast %gt3A_315 : vector<256x1xi1> to vector<256x1xi1>
    %broadcast_in_dim3A_319 = vector.broadcast %broadcast_in_dim3A_318 : vector<256x1xi1> to vector<256x64xi1>
    %select_n3A_320 = arith.select %broadcast_in_dim3A_319, %slice3A_316, %slice3A_317 : vector<256x64xi1>, vector<256x64xf32>
    %convert_element_type3A_321 = arith.truncf %select_n3A_320 : vector<256x64xf32> to vector<256x64xbf16>
    %dot_general3A_322 = arith.constant dense<0.000000e+00> : vector<256x512xf32>
    %dot_general3A_323 = tpu.matmul %convert_element_type3A_321, %convert_element_type3A, %dot_general3A_322 {dimension_numbers = #tpu.dot_dimension_numbers<[1], [0], [0], [1], [0, 0, 1, 1], [], []>, transpose_lhs_hint = false} : vector<256x64xbf16>, vector<64x512xbf16>, vector<256x512xf32> -> vector<256x512xf32>
    %max3A_324 = arith.maximumf %max3A_302, %dot_general3A_323 : vector<256x512xf32>
    %get3A_325 = arith.constant 15 : index
    %get3A_326 = arith.constant 0 : index
    %get3A_327 = arith.constant 0 : index
    %get3A_328 = vector.load %arg1[%get3A_325, %get3A_326, %get3A_327] : memref<16x256x128xf32, #tpu.memory_space<vmem>>, vector<1x256x128xf32>
    %get3A_329 = vector.shape_cast %get3A_328 : vector<1x256x128xf32> to vector<256x128xf32>
    %get3A_330 = arith.constant 15 : index
    %get3A_331 = arith.constant 0 : index
    %get3A_332 = arith.constant 0 : index
    %get3A_333 = vector.load %arg2[%get3A_330, %get3A_331, %get3A_332] : memref<16x256x1xf32, #tpu.memory_space<vmem>>, vector<1x256x1xf32>
    %get3A_334 = vector.shape_cast %get3A_333 : vector<1x256x1xf32> to vector<256x1xf32>
    %gt3A_335 = arith.constant 5.000000e-01 : f32
    %gt3A_336 = vector.broadcast %gt3A_335 : f32 to vector<256x1xf32>
    %gt3A_337 = arith.cmpf ogt, %get3A_334, %gt3A_336 : vector<256x1xf32>
    %slice3A_338 = vector.extract_strided_slice %get3A_329 {offsets = [0, 64], sizes = [256, 64], strides = [1, 1]} : vector<256x128xf32> to vector<256x64xf32>
    %slice3A_339 = vector.extract_strided_slice %get3A_329 {offsets = [0, 0], sizes = [256, 64], strides = [1, 1]} : vector<256x128xf32> to vector<256x64xf32>
    %broadcast_in_dim3A_340 = vector.shape_cast %gt3A_337 : vector<256x1xi1> to vector<256x1xi1>
    %broadcast_in_dim3A_341 = vector.broadcast %broadcast_in_dim3A_340 : vector<256x1xi1> to vector<256x64xi1>
    %select_n3A_342 = arith.select %broadcast_in_dim3A_341, %slice3A_338, %slice3A_339 : vector<256x64xi1>, vector<256x64xf32>
    %convert_element_type3A_343 = arith.truncf %select_n3A_342 : vector<256x64xf32> to vector<256x64xbf16>
    %dot_general3A_344 = arith.constant dense<0.000000e+00> : vector<256x512xf32>
    %dot_general3A_345 = tpu.matmul %convert_element_type3A_343, %convert_element_type3A, %dot_general3A_344 {dimension_numbers = #tpu.dot_dimension_numbers<[1], [0], [0], [1], [0, 0, 1, 1], [], []>, transpose_lhs_hint = false} : vector<256x64xbf16>, vector<64x512xbf16>, vector<256x512xf32> -> vector<256x512xf32>
    %max3A_346 = arith.maximumf %max3A_324, %dot_general3A_345 : vector<256x512xf32>
    %get3A_347 = arith.constant 0 : index
    %get3A_348 = arith.constant 0 : index
    %get3A_349 = vector.load %arg4[%get3A_347, %get3A_348] : memref<1x512xf32, #tpu.memory_space<vmem>>, vector<1x512xf32>
    %add3A = vector.broadcast %get3A_349 : vector<1x512xf32> to vector<256x512xf32>
    %add3A_350 = arith.addf %max3A_346, %add3A : vector<256x512xf32>
    %max3A_351 = arith.constant 0.000000e+00 : f32
    %max3A_352 = vector.broadcast %max3A_351 : f32 to vector<256x512xf32>
    %max3A_353 = arith.maximumf %add3A_350, %max3A_352 : vector<256x512xf32>
    %convert_element_type3A_354 = arith.truncf %max3A_353 : vector<256x512xf32> to vector<256x512xbf16>
    %get3A_355 = arith.constant 0 : index
    %get3A_356 = arith.constant 0 : index
    %get3A_357 = vector.load %arg5[%get3A_355, %get3A_356] : memref<512x128xf32, #tpu.memory_space<vmem>>, vector<512x128xf32>
    %convert_element_type3A_358 = arith.truncf %get3A_357 : vector<512x128xf32> to vector<512x128xbf16>
    %dot_general3A_359 = arith.constant dense<0.000000e+00> : vector<256x128xf32>
    %dot_general3A_360 = tpu.matmul %convert_element_type3A_354, %convert_element_type3A_358, %dot_general3A_359 {dimension_numbers = #tpu.dot_dimension_numbers<[1], [0], [0], [1], [0, 0, 1, 1], [], []>, transpose_lhs_hint = false} : vector<256x512xbf16>, vector<512x128xbf16>, vector<256x128xf32> -> vector<256x128xf32>
    %get3A_361 = arith.constant 0 : index
    %get3A_362 = arith.constant 0 : index
    %get3A_363 = vector.load %arg6[%get3A_361, %get3A_362] : memref<1x128xf32, #tpu.memory_space<vmem>>, vector<1x128xf32>
    %add3A_364 = vector.broadcast %get3A_363 : vector<1x128xf32> to vector<256x128xf32>
    %add3A_365 = arith.addf %dot_general3A_360, %add3A_364 : vector<256x128xf32>
    %swap3A = arith.constant 0 : index
    %swap3A_366 = arith.constant 0 : index
    %swap3A_367 = vector.load %arg7[%swap3A, %swap3A_366] : memref<256x128xf32, #tpu.memory_space<vmem>>, vector<256x128xf32>
    tpu.vector_store %arg7[%swap3A, %swap3A_366], %add3A_365 {strides = array<i32>} : memref<256x128xf32, #tpu.memory_space<vmem>>, vector<256x128xf32>,
    return
  }
  func.func @transform_0(%arg0: i32) -> (i32, i32, i32) {
    %c0_i32 = arith.constant 0 : i32
    %c0_i32_0 = arith.constant 0 : i32
    %c0_i32_1 = arith.constant 0 : i32
    return %c0_i32, %arg0, %c0_i32_0 : i32, i32, i32
  }
  func.func @transform_1(%arg0: i32) -> (i32, i32, i32) {
    %c0_i32 = arith.constant 0 : i32
    %c0_i32_0 = arith.constant 0 : i32
    %c0_i32_1 = arith.constant 0 : i32
    return %c0_i32, %arg0, %c0_i32_0 : i32, i32, i32
  }
  func.func @transform_2(%arg0: i32) -> (i32, i32) {
    %c0_i32 = arith.constant 0 : i32
    %c0_i32_0 = arith.constant 0 : i32
    %c0_i32_1 = arith.constant 0 : i32
    return %c0_i32, %c0_i32_0 : i32, i32
  }
  func.func @transform_3(%arg0: i32) -> (i32, i32) {
    %c0_i32 = arith.constant 0 : i32
    %c0_i32_0 = arith.constant 0 : i32
    %c0_i32_1 = arith.constant 0 : i32
    return %c0_i32, %c0_i32_0 : i32, i32
  }
  func.func @transform_4(%arg0: i32) -> (i32, i32) {
    %c0_i32 = arith.constant 0 : i32
    %c0_i32_0 = arith.constant 0 : i32
    %c0_i32_1 = arith.constant 0 : i32
    return %c0_i32, %c0_i32_0 : i32, i32
  }
  func.func @transform_5(%arg0: i32) -> (i32, i32) {
    %c0_i32 = arith.constant 0 : i32
    %c0_i32_0 = arith.constant 0 : i32
    %c0_i32_1 = arith.constant 0 : i32
    return %c0_i32, %c0_i32_0 : i32, i32
  }
  func.func @transform_6(%arg0: i32) -> (i32, i32) {
    %c0_i32 = arith.constant 0 : i32
    %c0_i32_0 = arith.constant 0 : i32
    return %arg0, %c0_i32 : i32, i32
  }
}

</mosaic_0001>

<sc_bundles>
// kernel: kernel.4.cloned.1.call-start
scs
__scs_entry_jumppad:
0x0: {  	(pc) =	sbr.rel $0x88, $3  }
0x1: {  	(tag) =	ssettag $0x0;
	lr =	simm.s32 $0x1  }
0x2: {  	[smem:$0x3F9B] =	sst lr;
	_ =	strace $0xD0000000  }
0x3: {  	_ = 	snop  }
0x4: {  	_ = 	snop  }
0x5: {  	_ = 	snop  }
0x6: {  	_ = 	snop  }
0x7: {  	_ = 	snop  }
__scs_overlays_trampoline_lowered:
0x8: {  	[smem:$0x3FAA] =	sst s0  }
0x9: {  	[smem:$0x3FAB] =	sst s1  }
0xa: {  	[smem:$0x3FAC] =	sst s2  }
0xb: {  	[smem:$0x3FAD] =	sst s3  }
0xc: {  	[smem:$0x3FAE] =	sst s4  }
0xd: {  	[smem:$0x3FAF] =	sst s5  }
0xe: {  	[smem:$0x3FB0] =	sst s6  }
0xf: {  	[smem:$0x3FB1] =	sst s7  }
0x10: {  	[smem:$0x3FB2] =	sst s8  }
0x11: {  	[smem:$0x3FB3] =	sst s9;
	s0 =	simm.s32 @!p0 $0x0  }
0x12: {  	s1 =	sld [smem:$0x3F99];
	s0 =	simm.s32 @p0 $0x1  }
0x13: {  	[smem:$0x3FB4] =	sst s0;
	s0 =	simm.s32 @!p1 $0x0  }
0x14: {  	s2 =	sld [smem:$0x3F98];
	s0 =	simm.s32 @p1 $0x1  }
0x15: {  	[smem:$0x3FB5] =	sst s0;
	s0 =	simm.s32 @!p2 $0x0  }
0x16: {  	s3 =	sld [smem:$0x3FDB];
	s0 =	simm.s32 @p2 $0x1  }
0x17: {  	s4 =	simm.s32 $0x1BF5;
	[smem:$0x3FB7] =	sst s0  }
0x18: {  	s0 =	sld [smem:$0x3F9A];
	_ =	swait.ge [sflag:s4], $0x0  }
0x19: {  	s7 =	sld [smem:$0x3F9B]  }
0x1a: {  	s8 =	sadd.s32 $0xFFFFE003, lr  }
0x1b: {  	s9 =	sadd.s32 $0xFFFFFEF7, lr;
	s5 =	simm.s32 $0xFFFFFFFF;
	p2 =	slt.u32 s8, $0xFFFFF086  }
0x1c: {  	p1 =	slt.u32 s9, $0xF7A;
	s5 =	simm.s32 @!p2 $0x0  }
0x1d: {  	s5 =	simm.s32 @p1 $0x1;
	p0 =	seq.s32 s7, s2  }
0x1e: {  	s7 =	smul.u32 @!p0 $0xF7A, s2;
	p2 =	seq.s32 @!p0 s5, $0x0  }
0x1f: {  	s9 =	smul.u32 $0xF7A, s1;
	s8 =	simm.s32 @!p0 $0x1BF5;
	p2 =	por !p2, p0  }
0x20: {  	[sflag:s8] =	ssyncset.s32 @!p0 $0xFFFFF086;
	s6 =	sadd.s32 @!p0 s3, s7;
	s7 =	simm.s32 @!p0 $0x108  }
0x21: {  	s3 =	sadd.s32 s3, s9;
	s6 =	sadd.s32 @!p0 $0x88, s6;
	s7 =	simm.s32 @p2 $0x1082  }
0x22: {  	[simem:s7], [sflag:s8] =	dma.local @!p0 [hbm:s6], $0xF7A  }
0x23: {  	s9 =	sor.u32 $0xD0000000, s2;
	s6 =	simm.s32 $0x108;
	_ =	swait.ge @!p0 [sflag:s8], $0x0  }
0x24: {  	s3 =	sadd.s32 $0x88, s3;
	s6 =	simm.s32 @!p1 $0x1082;
	[sflag:s4] =	ssyncset.s32 $0xFFFFF086  }
0x25: {  	[simem:s6], [sflag:s4] =	dma.local [hbm:s3], $0xF7A  }
0x26: {  	[smem:$0x3F9B] =	sst s1;
	(tag) =	ssettag s2;
	_ =	strace s9  }
0x27: {  	s1 =	sld [smem:$0x3FAB]  }
0x28: {  	s2 =	sld [smem:$0x3FAC]  }
0x29: {  	s4 =	sld [smem:$0x3FAE]  }
0x2a: {  	p0 =	seq.s32 s5, $0x0;
	s5 =	sld [smem:$0x3FAF]  }
0x2b: {  	s6 =	sld [smem:$0x3FB0]  }
0x2c: {  	s7 =	sld [smem:$0x3FB1]  }
0x2d: {  	s3 =	simm.s32 $0x108;
	s8 =	sld [smem:$0x3FB2]  }
0x2e: {  	s3 =	simm.s32 @!p0 $0x1082;
	s9 =	sld [smem:$0x3FB3]  }
0x2f: {  	lr =	sadd.s32 s0, s3;
	s0 =	sld [smem:$0x3FAA]  }
0x30: {  	s3 =	sld [smem:$0x3FAD]  }
0x31: {  	[smem:$0x3FB6] =	sst s10  }
0x32: {  	s10 =	sld [smem:$0x3FB4];
	_ =	sdelay $0x3  }
0x33: {  	p0 =	seq.s32 s10, $0x1;
	s10 =	sld [smem:$0x3FB6];
	_ =	sdelay $0x3  }
0x34: {  	[smem:$0x3FB6] =	sst s10  }
0x35: {  	s10 =	sld [smem:$0x3FB5];
	_ =	sdelay $0x3  }
0x36: {  	p1 =	seq.s32 s10, $0x1;
	s10 =	sld [smem:$0x3FB6];
	_ =	sdelay $0x3  }
0x37: {  	[smem:$0x3FB6] =	sst s10  }
0x38: {  	s10 =	sld [smem:$0x3FB7]  }
0x39: {  	_ = 	snop;
	(pc) =	sbr.ind lr, $3  }
0x3a: {  	_ = 	snop  }
0x3b: {  	_ = 	snop  }
0x3c: {  	p2 =	seq.s32 s10, $0x1;
	s10 =	sld [smem:$0x3FB6]  }
0x3d: {  	_ =	shalt  }
0x3e: {  	_ =	shalt  }
0x3f: {  	_ =	shalt  }
0x40: {  	_ =	shalt  }
0x41: {  	_ =	shalt  }
0x42: {  	_ =	shalt  }
0x43: {  	_ =	shalt  }
0x44: {  	_ =	shalt  }
0x45: {  	_ =	shalt  }
0x46: {  	_ =	shalt  }
0x47: {  	_ =	shalt  }
0x48: {  	_ =	shalt  }
0x49: {  	_ =	shalt  }
0x4a: {  	_ =	shalt  }
0x4b: {  	_ =	shalt  }
0x4c: {  	_ =	shalt  }
0x4d: {  	_ =	shalt  }
0x4e: {  	_ =	shalt  }
0x4f: {  	_ =	shalt  }
0x50: {  	_ =	shalt  }
0x51: {  	_ =	shalt  }
0x52: {  	_ =	shalt  }
0x53: {  	_ =	shalt  }
0x54: {  	_ =	shalt  }
0x55: {  	_ =	shalt  }
0x56: {  	_ =	shalt  }
0x57: {  	_ =	shalt  }
0x58: {  	_ =	shalt  }
0x59: {  	_ =	shalt  }
0x5a: {  	_ =	shalt  }
0x5b: {  	_ =	shalt  }
0x5c: {  	_ =	shalt  }
0x5d: {  	_ =	shalt  }
0x5e: {  	_ =	shalt  }
0x5f: {  	_ =	shalt  }
0x60: {  	_ =	shalt  }
0x61: {  	_ =	shalt  }
0x62: {  	_ =	shalt  }
0x63: {  	_ =	shalt  }
0x64: {  	_ =	shalt  }
0x65: {  	_ =	shalt  }
0x66: {  	_ =	shalt  }
0x67: {  	_ =	shalt  }
0x68: {  	_ =	shalt  }
0x69: {  	_ =	shalt  }
0x6a: {  	_ =	shalt  }
0x6b: {  	_ =	shalt  }
0x6c: {  	_ =	shalt  }
0x6d: {  	_ =	shalt  }
0x6e: {  	_ =	shalt  }
0x6f: {  	_ =	shalt  }
0x70: {  	_ =	shalt  }
0x71: {  	_ =	shalt  }
0x72: {  	_ =	shalt  }
0x73: {  	_ =	shalt  }
0x74: {  	_ =	shalt  }
0x75: {  	_ =	shalt  }
0x76: {  	_ =	shalt  }
0x77: {  	_ =	shalt  }
0x78: {  	_ =	shalt  }
0x79: {  	_ =	shalt  }
0x7a: {  	_ =	shalt  }
0x7b: {  	_ =	shalt  }
0x7c: {  	_ =	shalt  }
0x7d: {  	_ =	shalt  }
0x7e: {  	_ =	shalt  }
0x7f: {  	_ =	shalt  }
0x80: {  	_ =	shalt  }
0x81: {  	_ =	shalt  }
0x82: {  	_ =	shalt  }
0x83: {  	_ =	shalt  }
0x84: {  	_ =	shalt  }
0x85: {  	_ =	shalt  }
0x86: {  	_ =	shalt  }
0x87: {  	_ =	shalt  }
.Lfunc_end0:
.L_simem_size_0:
called_computation_lowered:
.L_overlay_start_0:
0x88: {  	s2 =	sld [smem:$0x3FD9]  }
0x89: {  	s3 =	sld [smem:$0x3FFE];
	_ =	sdelay $0x1  }
0x8a: {  	s1 =	srdreg.scid  }
0x8b: {  	s0 =	sand.u32 $0x1, s1  }
0x8c: {  	s16 =	sshll.u32 s0, $0xA;
	s2 =	sadd.s32 s3, s2  }
0x8d: {  	s2 =	sadd.s32 s2, s16  }
0x8e: {  	[smem:$0x3FC2] =	sst s2  }
0x8f: {  	_ = 	snop  }
0x90: {  	(tm) =	ssettm $0x1  }
0x91: {  	s17 =	sld [smem:$0x3FFB];
	_ =	sdelay $0x3  }
0x92: {  	_ =	strace s17  }
0x93: {  	s2 =	sld [smem:$0x3FFC];
	_ =	sdelay $0x3  }
0x94: {  	_ =	strace s2  }
0x95: {  	s2 =	sld [smem:$0x3FFD];
	_ =	sdelay $0x3  }
0x96: {  	_ =	strace s2  }
0x97: {  	_ =	strace $0x8FFFFFFF  }
0x98: {  	s18 =	sld [smem:$0x3FDB];
	_ =	sdelay $0x1  }
0x99: {  	s19 =	simm.s32 $_scs_section_size  }
0x9a: {  	s4 =	simm.s32 $_size__tile_overlayer_lowered;
	s5 =	simm.s32 $_tile_overlayer_lowered  }
0x9b: {  	s22 =	simm.s32 $0x1BFF;
	s21 =	sshll.u32 s5, $0x1;
	s2 =	sadd.s32 s19, s18  }
0x9c: {  	s6 =	simm.s32 $0x0;
	s20 =	sshll.u32 s4, $0x1;
	s4 =	sadd.s32 s21, s2  }
0x9d: {  	[timem:s6], [sflag:s22] =	dma.local [hbm:s4], s20  }
0x9e: {  	_ =	swait.ge [sflag:s22], s20  }
0x9f: {  	s3 =	ssub.s32 $0x0, s20;
	[sflag:s22] =	ssyncset.done $0x0  }
0xa0: {  	[sflag:s22] =	ssyncadd.s32 s3;
	_ =	sdelay $0x1  }
0xa1: {  	s23 =	simm.s32 $0x1B8B  }
0xa2: {  	_ =	swait.ge [sflag:s23], $0x1  }
0xa3: {  	[sflag:s23] =	ssyncset.done $0x0  }
0xa4: {  	s25 =	simm.s32 $0x1B8E;
	s24 =	sld [smem:$0x3FFE];
	[sflag:s23] =	ssyncadd.s32 $0xFFFFFFFF  }
0xa5: {  	s26 =	simm.s32 $execute0_lowered;
	[smem:$0x3FD2] =	sst s25  }
0xa6: {  	s4 =	sshll.u32 s26, $0x1;
	_ =	strace $0x80000046;
	[dreg:$0x1] =	wrdreg $0xFFFFFFFF  }
0xa7: {  	s28 =	simm.s32 $_size_execute0_lowered;
	s2 =	sadd.s32 s2, s4;
	[dreg:$0x0] =	wrdreg $0x0  }
0xa8: {  	s4 =	sshll.u32 s28, $0x1;
	[dreg:$0x2] =	wrdreg s2  }
0xa9: {  	[dreg:$0x3] =	wrdreg s4  }
0xaa: {  	[dreg:$0x4] =	wrdreg $0xC0  }
0xab: {  	_ =	task [dreg:s6], $0x5FFFF  }
0xac: {  	[dreg:$0x1] =	wrdreg $0xFFFFFFFF  }
0xad: {  	[dreg:$0x0] =	wrdreg $0x60  }
0xae: {  	[dreg:$0x2] =	wrdreg s24  }
0xaf: {  	[dreg:$0x3] =	wrdreg $0x9  }
0xb0: {  	_ =	task.clear_ibuf [dreg:s6], $0x4FFFF;
	_ =	strace $0x90000046  }
0xb1: {  	s29 =	simm.s32 $0x9;
	_ =	strace $0x80000048  }
0xb2: {  	_ =	swait.ge [sflag:s29], $0x1  }
0xb3: {  	[sflag:s29] =	ssyncadd.s32 $0xFFFFFFFF  }
0xb4: {  	_ =	strace $0x90000048  }
0xb5: {  	_ =	sfence  }
0xb6: {  	s30 =	sld [smem:$0x0];
	_ =	sdelay $0x2  }
0xb7: {  	s31 =	sshll.u32 s1, $0xD;
	s1 =	sshrl.u32 s1, $0x2  }
0xb8: {  	s3 =	sand.u32 $0x4000, s31;
	s1 =	sadd.s32 s1, s30  }
0xb9: {  	s0 =	sor.u32 s3, s0;
	s1 =	sshll.u32 s1, $0x11  }
0xba: {  	s0 =	sor.u32 s1, s0  }
0xbb: {  	s0 =	sadd.s32 $0x8F2B, s0  }
0xbc: {  	[sflag:s0] =	ssyncadd.remote.s32 $0x1  }
0xbd: {  	_ =	sfence.sel $0xFFFF  }
0xbe: {  	[dreg:$0x0] =	wrdreg $0xFFFFFFFF;
	(pc) =	sbr.abs _section_cstart, $3  }
0xbf: {  	[dreg:$0x1] =	wrdreg $0xFFFFFFFF  }
0xc0: {  	_ =	task.clear_ibuf [dreg:s6], $0x2FFFF;
	_ =	strace $0x9FFFFFFF  }
0xc1: {  	(tm) =	ssettm $0x7FFFFFFF  }
tec
execute0_lowered:
.L_overlay_start_1:
0x0: {  	(tag) =	ssettag $0x1  }
0x1: {  	s2 =	stileid.u32  }
0x2: {  	s0 =	srdreg.scid;
	s3 =	rddreg [dreg:$0x0];
	s14 =	simm.s32 $0x80  }
0x3: {  	s12 =	simm.s32 $0x800;
	s11 =	simm.s32 $0x4800;
	s30 =	simm.s32 $0x100  }
0x4: {  	s10 =	simm.s32 $0x8800;
	s31 =	simm.s32 $0x180;
	s9 =	simm.s32 $0xC800  }
0x5: {  	s13 =	simm.s32 $0x1;
	s28 =	simm.s32 $0x300;
	s29 =	simm.s32 $0x380  }
0x6: {  	p0 =	por $0x0, $0x0;
	s0 =	sand.u32 $0x1, s0;
	s1 =	sshll.u32 s2, $0x1  }
0x7: {  	s2 =	sshll.u32 s2, $0x9;
	s7 =	sadd.s32 $0xF43600, s3;
	s1 =	sor.u32 s0, s1  }
0x8: {  	s4 =	sand.u32 $0x1800, s2;
	s2 =	simm.s32 $0x0;
	s0 =	ssub.s32 $0x2, s0  }
0x9: {  	s5 =	sshll.u32 s1, $0x4;
	s4 =	sadd.s32 s4, s3;
	s1 =	sshll.u32 s1, $0xF  }
0xa: {  	[smem:$0x7FF] =	sst s2;
	s24 =	sshrl.u32 s0, $0x1;
	s1 =	sadd.s32 s1, s3  }
0xb: {  	s5 =	sand.u32 $0x70, s5;
	_ =	strace $0x80000047;
	s16 =	sadd.s32 $0x3200, s1  }
0xc: {  	s0 =	ssub.s32 s0, s24;
	s17 =	sadd.s32 $0x3A00, s1;
	[dreg:$0x3] =	wrdreg s16  }
0xd: {  	s24 =	simm.s32 $0x580;
	s18 =	sadd.s32 $0x4200, s1;
	[dreg:$0x4] =	wrdreg s17  }
0xe: {  	s4 =	sadd.s32 s5, s4;
	s19 =	sadd.s32 $0x4A00, s1;
	[dreg:$0x5] =	wrdreg s18  }
0xf: {  	s20 =	sadd.s32 $0x5200, s1;
	s21 =	sadd.s32 $0x5A00, s1;
	[dreg:$0x6] =	wrdreg s19  }
0x10: {  	s22 =	sadd.s32 $0x6200, s1;
	s23 =	sadd.s32 $0x6A00, s1;
	[dreg:$0x7] =	wrdreg s20  }
0x11: {  	s25 =	sadd.s32 $0x7200, s1;
	s26 =	sadd.s32 $0x7A00, s1;
	[dreg:$0x8] =	wrdreg s21  }
0x12: {  	s15 =	sadd.s32 $0x8A00, s1;
	s8 =	sadd.s32 $0x9200, s1;
	[dreg:$0x9] =	wrdreg s22  }
0x13: {  	s6 =	sadd.s32 $0x9A00, s1;
	s5 =	sadd.s32 $0xA200, s1;
	[dreg:$0xa] =	wrdreg s23  }
0x14: {  	s3 =	sadd.s32 $0xAA00, s1;
	s0 =	smax.u32 s0, $0x1;
	[dreg:$0xb] =	wrdreg s25  }
0x15: {  	s4 =	sadd.s32 $0x1200, s4;
	[dreg:$0xc] =	wrdreg s26;
	p1 =	sne.s32 s0, $0x1  }
.Ltmp0:
0x16: {  	s16 =	sadd.s32 $0x8200, s1;
	s21 =	simm.s32 $0x400;
	(pc) =	sbr.rel @!p1 .LBB2_3-.Ltmp0, $4  }
0x17: {  	s25 =	simm.s32 $0x200;
	s26 =	simm.s32 $0x280;
	s22 =	simm.s32 $0x480  }
0x18: {  	s1 =	sadd.s32 $0xFFFFFFFF, s0;
	s23 =	simm.s32 $0x500;
	s17 =	simm.s32 $0x600  }
0x19: {  	s18 =	simm.s32 $0x680;
	s19 =	simm.s32 $0x700;
	[dreg:$0x2] =	wrdreg s4  }
0x1a: {  	s20 =	simm.s32 $0x780;
	s4 =	simm.s32 $0x2;
	s0 =	rddreg [dreg:$0x2]  }
0x1b: {  	[tilespmem:s2], [sflag:$0x2] =	stream.strided.gather [hbm4b:s0+s14], $0x800, s21, s14, $0x38;
	[tilespmem:$0x10800] =	vst v63  }
0x1c: {  	_ =	swait.ge [sflag:s4], $0x800  }
0x1d: {  	[sflag:s4] =	ssyncset.done $0x0  }
0x1e: {  	[sflag:s4] =	ssyncadd.s32 $0xFFFFF800  }
0x1f: {  	[tilespmem:s12], [sflag:$0x1] =	stream.indirect.gather [hbm4b:s7+s14], $0x80, s2, s14, $0xb8;
	[tilespmem:$0x10800] =	vst v63  }
0x20: {  	_ = 	snop  }
0x21: {  	[tilespmem:s11], [sflag:$0x1] =	stream.indirect.gather [hbm4b:s7+s14], $0x80, s14, s14, $0xb8;
	[tilespmem:$0x10800] =	vst v63  }
0x22: {  	_ = 	snop  }
0x23: {  	[tilespmem:s10], [sflag:$0x1] =	stream.indirect.gather [hbm4b:s7+s14], $0x80, s30, s14, $0xb8;
	[tilespmem:$0x10800] =	vst v63  }
0x24: {  	_ = 	snop  }
0x25: {  	[tilespmem:s9], [sflag:$0x1] =	stream.indirect.gather [hbm4b:s7+s14], $0x80, s31, s14, $0xb8;
	[tilespmem:$0x10800] =	vst v63  }
0x26: {  	_ =	swait.ge [sflag:s13], $0x4000  }
0x27: {  	[sflag:s13] =	ssyncset.done $0x0  }
0x28: {  	[sflag:s13] =	ssyncadd.s32 $0xFFFFC000  }
0x29: {  	_ =	swait.ge [sflag:s13], $0x4000  }
0x2a: {  	[sflag:s13] =	ssyncset.done $0x0  }
0x2b: {  	[sflag:s13] =	ssyncadd.s32 $0xFFFFC000  }
0x2c: {  	_ =	swait.ge [sflag:s13], $0x4000  }
0x2d: {  	[sflag:s13] =	ssyncset.done $0x0  }
0x2e: {  	[sflag:s13] =	ssyncadd.s32 $0xFFFFC000  }
0x2f: {  	_ =	swait.ge [sflag:s13], $0x4000  }
0x30: {  	[sflag:s13] =	ssyncset.done $0x0  }
0x31: {  	s0 =	rddreg [dreg:$0x3];
	[sflag:s13] =	ssyncadd.s32 $0xFFFFC000  }
0x32: {  	[hbm4b:s0+s2] =	stream.linear.scatter [tilespmem:s12], [sflag:$0x2], $0x4000, $0x38;
	[tilespmem:$0x10800] =	vst v63  }
0x33: {  	_ =	swait.ge [sflag:s4], $0x4000  }
0x34: {  	[sflag:s4] =	ssyncset.done $0x0  }
0x35: {  	s0 =	rddreg [dreg:$0x4];
	[sflag:s4] =	ssyncadd.s32 $0xFFFFC000  }
0x36: {  	[hbm4b:s0+s2] =	stream.linear.scatter [tilespmem:s11], [sflag:$0x2], $0x4000, $0x38;
	[tilespmem:$0x10800] =	vst v63  }
0x37: {  	_ =	swait.ge [sflag:s4], $0x4000  }
0x38: {  	[sflag:s4] =	ssyncset.done $0x0  }
0x39: {  	s0 =	rddreg [dreg:$0x5];
	[sflag:s4] =	ssyncadd.s32 $0xFFFFC000  }
0x3a: {  	[hbm4b:s0+s2] =	stream.linear.scatter [tilespmem:s10], [sflag:$0x2], $0x4000, $0x38;
	[tilespmem:$0x10800] =	vst v63  }
0x3b: {  	_ =	swait.ge [sflag:s4], $0x4000  }
0x3c: {  	[sflag:s4] =	ssyncset.done $0x0  }
0x3d: {  	s0 =	rddreg [dreg:$0x6];
	[sflag:s4] =	ssyncadd.s32 $0xFFFFC000  }
0x3e: {  	[hbm4b:s0+s2] =	stream.linear.scatter [tilespmem:s9], [sflag:$0x2], $0x4000, $0x38;
	[tilespmem:$0x10800] =	vst v63  }
0x3f: {  	_ =	swait.ge [sflag:s4], $0x4000  }
0x40: {  	[sflag:s4] =	ssyncset.done $0x0  }
0x41: {  	[sflag:s4] =	ssyncadd.s32 $0xFFFFC000  }
0x42: {  	[tilespmem:s12], [sflag:$0x1] =	stream.indirect.gather [hbm4b:s7+s14], $0x80, s25, s14, $0xb8;
	[tilespmem:$0x10800] =	vst v63  }
0x43: {  	_ = 	snop  }
0x44: {  	[tilespmem:s11], [sflag:$0x1] =	stream.indirect.gather [hbm4b:s7+s14], $0x80, s26, s14, $0xb8;
	[tilespmem:$0x10800] =	vst v63  }
0x45: {  	_ = 	snop  }
0x46: {  	[tilespmem:s10], [sflag:$0x1] =	stream.indirect.gather [hbm4b:s7+s14], $0x80, s28, s14, $0xb8;
	[tilespmem:$0x10800] =	vst v63  }
0x47: {  	_ = 	snop  }
0x48: {  	[tilespmem:s9], [sflag:$0x1] =	stream.indirect.gather [hbm4b:s7+s14], $0x80, s29, s14, $0xb8;
	[tilespmem:$0x10800] =	vst v63  }
0x49: {  	_ =	swait.ge [sflag:s13], $0x4000  }
0x4a: {  	[sflag:s13] =	ssyncset.done $0x0  }
0x4b: {  	[sflag:s13] =	ssyncadd.s32 $0xFFFFC000  }
0x4c: {  	_ =	swait.ge [sflag:s13], $0x4000  }
0x4d: {  	[sflag:s13] =	ssyncset.done $0x0  }
0x4e: {  	[sflag:s13] =	ssyncadd.s32 $0xFFFFC000  }
0x4f: {  	_ =	swait.ge [sflag:s13], $0x4000  }
0x50: {  	[sflag:s13] =	ssyncset.done $0x0  }
0x51: {  	[sflag:s13] =	ssyncadd.s32 $0xFFFFC000  }
0x52: {  	_ =	swait.ge [sflag:s13], $0x4000  }
0x53: {  	[sflag:s13] =	ssyncset.done $0x0  }
0x54: {  	s0 =	rddreg [dreg:$0x7];
	[sflag:s13] =	ssyncadd.s32 $0xFFFFC000  }
0x55: {  	[hbm4b:s0+s2] =	stream.linear.scatter [tilespmem:s12], [sflag:$0x2], $0x4000, $0x38;
	[tilespmem:$0x10800] =	vst v63  }
0x56: {  	_ =	swait.ge [sflag:s4], $0x4000  }
0x57: {  	[sflag:s4] =	ssyncset.done $0x0  }
0x58: {  	s0 =	rddreg [dreg:$0x8];
	[sflag:s4] =	ssyncadd.s32 $0xFFFFC000  }
0x59: {  	[hbm4b:s0+s2] =	stream.linear.scatter [tilespmem:s11], [sflag:$0x2], $0x4000, $0x38;
	[tilespmem:$0x10800] =	vst v63  }
0x5a: {  	_ =	swait.ge [sflag:s4], $0x4000  }
0x5b: {  	[sflag:s4] =	ssyncset.done $0x0  }
0x5c: {  	s0 =	rddreg [dreg:$0x9];
	[sflag:s4] =	ssyncadd.s32 $0xFFFFC000  }
0x5d: {  	[hbm4b:s0+s2] =	stream.linear.scatter [tilespmem:s10], [sflag:$0x2], $0x4000, $0x38;
	[tilespmem:$0x10800] =	vst v63  }
0x5e: {  	_ =	swait.ge [sflag:s4], $0x4000  }
0x5f: {  	[sflag:s4] =	ssyncset.done $0x0  }
0x60: {  	s0 =	rddreg [dreg:$0xa];
	[sflag:s4] =	ssyncadd.s32 $0xFFFFC000  }
0x61: {  	[hbm4b:s0+s2] =	stream.linear.scatter [tilespmem:s9], [sflag:$0x2], $0x4000, $0x38;
	[tilespmem:$0x10800] =	vst v63  }
0x62: {  	_ =	swait.ge [sflag:s4], $0x4000  }
0x63: {  	[sflag:s4] =	ssyncset.done $0x0  }
0x64: {  	[sflag:s4] =	ssyncadd.s32 $0xFFFFC000  }
0x65: {  	[tilespmem:s12], [sflag:$0x1] =	stream.indirect.gather [hbm4b:s7+s14], $0x80, s21, s14, $0xb8;
	[tilespmem:$0x10800] =	vst v63  }
0x66: {  	_ = 	snop  }
0x67: {  	[tilespmem:s11], [sflag:$0x1] =	stream.indirect.gather [hbm4b:s7+s14], $0x80, s22, s14, $0xb8;
	[tilespmem:$0x10800] =	vst v63  }
0x68: {  	_ = 	snop  }
0x69: {  	[tilespmem:s10], [sflag:$0x1] =	stream.indirect.gather [hbm4b:s7+s14], $0x80, s23, s14, $0xb8;
	[tilespmem:$0x10800] =	vst v63  }
0x6a: {  	_ = 	snop  }
0x6b: {  	[tilespmem:s9], [sflag:$0x1] =	stream.indirect.gather [hbm4b:s7+s14], $0x80, s24, s14, $0xb8;
	[tilespmem:$0x10800] =	vst v63  }
0x6c: {  	_ =	swait.ge [sflag:s13], $0x4000  }
0x6d: {  	[sflag:s13] =	ssyncset.done $0x0  }
0x6e: {  	[sflag:s13] =	ssyncadd.s32 $0xFFFFC000  }
0x6f: {  	_ =	swait.ge [sflag:s13], $0x4000  }
0x70: {  	[sflag:s13] =	ssyncset.done $0x0  }
0x71: {  	[sflag:s13] =	ssyncadd.s32 $0xFFFFC000  }
0x72: {  	_ =	swait.ge [sflag:s13], $0x4000  }
0x73: {  	[sflag:s13] =	ssyncset.done $0x0  }
0x74: {  	[sflag:s13] =	ssyncadd.s32 $0xFFFFC000  }
0x75: {  	_ =	swait.ge [sflag:s13], $0x4000  }
0x76: {  	[sflag:s13] =	ssyncset.done $0x0  }
0x77: {  	s0 =	rddreg [dreg:$0xb];
	[sflag:s13] =	ssyncadd.s32 $0xFFFFC000  }
0x78: {  	[hbm4b:s0+s2] =	stream.linear.scatter [tilespmem:s12], [sflag:$0x2], $0x4000, $0x38;
	[tilespmem:$0x10800] =	vst v63  }
0x79: {  	_ =	swait.ge [sflag:s4], $0x4000  }
0x7a: {  	[sflag:s4] =	ssyncset.done $0x0  }
0x7b: {  	s0 =	rddreg [dreg:$0xc];
	[sflag:s4] =	ssyncadd.s32 $0xFFFFC000  }
0x7c: {  	[hbm4b:s0+s2] =	stream.linear.scatter [tilespmem:s11], [sflag:$0x2], $0x4000, $0x38;
	[tilespmem:$0x10800] =	vst v63  }
0x7d: {  	_ =	swait.ge [sflag:s4], $0x4000  }
0x7e: {  	[sflag:s4] =	ssyncset.done $0x0  }
0x7f: {  	[sflag:s4] =	ssyncadd.s32 $0xFFFFC000  }
0x80: {  	[hbm4b:s16+s2] =	stream.linear.scatter [tilespmem:s10], [sflag:$0x2], $0x4000, $0x38;
	[tilespmem:$0x10800] =	vst v63  }
0x81: {  	_ =	swait.ge [sflag:s4], $0x4000  }
0x82: {  	[sflag:s4] =	ssyncset.done $0x0  }
0x83: {  	[sflag:s4] =	ssyncadd.s32 $0xFFFFC000  }
0x84: {  	[hbm4b:s15+s2] =	stream.linear.scatter [tilespmem:s9], [sflag:$0x2], $0x4000, $0x38;
	[tilespmem:$0x10800] =	vst v63  }
0x85: {  	_ =	swait.ge [sflag:s4], $0x4000  }
0x86: {  	[sflag:s4] =	ssyncset.done $0x0  }
0x87: {  	[sflag:s4] =	ssyncadd.s32 $0xFFFFC000  }
0x88: {  	[tilespmem:s12], [sflag:$0x1] =	stream.indirect.gather [hbm4b:s7+s14], $0x80, s17, s14, $0xb8;
	[tilespmem:$0x10800] =	vst v63  }
0x89: {  	_ = 	snop  }
0x8a: {  	[tilespmem:s11], [sflag:$0x1] =	stream.indirect.gather [hbm4b:s7+s14], $0x80, s18, s14, $0xb8;
	[tilespmem:$0x10800] =	vst v63  }
0x8b: {  	_ = 	snop  }
0x8c: {  	[tilespmem:s10], [sflag:$0x1] =	stream.indirect.gather [hbm4b:s7+s14], $0x80, s19, s14, $0xb8;
	[tilespmem:$0x10800] =	vst v63  }
0x8d: {  	_ = 	snop  }
0x8e: {  	[tilespmem:s9], [sflag:$0x1] =	stream.indirect.gather [hbm4b:s7+s14], $0x80, s20, s14, $0xb8;
	[tilespmem:$0x10800] =	vst v63  }
0x8f: {  	_ =	swait.ge [sflag:s13], $0x4000  }
0x90: {  	[sflag:s13] =	ssyncset.done $0x0  }
0x91: {  	[sflag:s13] =	ssyncadd.s32 $0xFFFFC000  }
0x92: {  	_ =	swait.ge [sflag:s13], $0x4000  }
0x93: {  	[sflag:s13] =	ssyncset.done $0x0  }
0x94: {  	[sflag:s13] =	ssyncadd.s32 $0xFFFFC000  }
0x95: {  	_ =	swait.ge [sflag:s13], $0x4000  }
0x96: {  	[sflag:s13] =	ssyncset.done $0x0  }
0x97: {  	[sflag:s13] =	ssyncadd.s32 $0xFFFFC000  }
0x98: {  	_ =	swait.ge [sflag:s13], $0x4000  }
0x99: {  	[sflag:s13] =	ssyncset.done $0x0  }
0x9a: {  	[sflag:s13] =	ssyncadd.s32 $0xFFFFC000  }
0x9b: {  	[hbm4b:s8+s2] =	stream.linear.scatter [tilespmem:s12], [sflag:$0x2], $0x4000, $0x38;
	[tilespmem:$0x10800] =	vst v63  }
0x9c: {  	_ =	swait.ge [sflag:s4], $0x4000  }
0x9d: {  	[sflag:s4] =	ssyncset.done $0x0  }
0x9e: {  	[sflag:s4] =	ssyncadd.s32 $0xFFFFC000  }
0x9f: {  	[hbm4b:s6+s2] =	stream.linear.scatter [tilespmem:s11], [sflag:$0x2], $0x4000, $0x38;
	[tilespmem:$0x10800] =	vst v63  }
0xa0: {  	_ =	swait.ge [sflag:s4], $0x4000  }
0xa1: {  	[sflag:s4] =	ssyncset.done $0x0  }
0xa2: {  	[sflag:s4] =	ssyncadd.s32 $0xFFFFC000  }
0xa3: {  	[hbm4b:s5+s2] =	stream.linear.scatter [tilespmem:s10], [sflag:$0x2], $0x4000, $0x38;
	[tilespmem:$0x10800] =	vst v63  }
0xa4: {  	p1 =	sne.s32 s1, $0x1;
	_ =	swait.ge [sflag:s4], $0x4000  }
.Ltmp1:
0xa5: {  	[sflag:s4] =	ssyncset.done $0x0;
	(pc) =	sbr.rel @!p1 .LBB2_3-.Ltmp1, $4  }
0xa6: {  	[sflag:s4] =	ssyncadd.s32 $0xFFFFC000  }
0xa7: {  	[hbm4b:s3+s2] =	stream.linear.scatter [tilespmem:s9], [sflag:$0x2], $0x4000, $0x38;
	[tilespmem:$0x10800] =	vst v63  }
0xa8: {  	s1 =	sadd.s32 $0xFFFFFFFF, s1;
	_ =	swait.ge [sflag:s4], $0x4000  }
0xa9: {  	p0 =	por $0x1, $0x1;
	s0 =	rddreg [dreg:$0x2];
	[sflag:s4] =	ssyncset.done $0x0  }
.LBB2_2:
0xaa: {  	[sflag:s4] =	ssyncadd.s32 $0xFFFFC000  }
0xab: {  	[tilespmem:s2], [sflag:$0x2] =	stream.strided.gather [hbm4b:s0+s14], $0x800, s21, s14, $0x38;
	[tilespmem:$0x10800] =	vst v63  }
0xac: {  	_ =	swait.ge [sflag:s4], $0x800  }
0xad: {  	[sflag:s4] =	ssyncset.done $0x0  }
0xae: {  	[sflag:s4] =	ssyncadd.s32 $0xFFFFF800  }
0xaf: {  	[tilespmem:s12], [sflag:$0x1] =	stream.indirect.gather [hbm4b:s7+s14], $0x80, s2, s14, $0xb8;
	[tilespmem:$0x10800] =	vst v63  }
0xb0: {  	_ = 	snop  }
0xb1: {  	[tilespmem:s11], [sflag:$0x1] =	stream.indirect.gather [hbm4b:s7+s14], $0x80, s14, s14, $0xb8;
	[tilespmem:$0x10800] =	vst v63  }
0xb2: {  	_ = 	snop  }
0xb3: {  	[tilespmem:s10], [sflag:$0x1] =	stream.indirect.gather [hbm4b:s7+s14], $0x80, s30, s14, $0xb8;
	[tilespmem:$0x10800] =	vst v63  }
0xb4: {  	_ = 	snop  }
0xb5: {  	[tilespmem:s9], [sflag:$0x1] =	stream.indirect.gather [hbm4b:s7+s14], $0x80, s31, s14, $0xb8;
	[tilespmem:$0x10800] =	vst v63  }
0xb6: {  	_ =	swait.ge [sflag:s13], $0x4000  }
0xb7: {  	[sflag:s13] =	ssyncset.done $0x0  }
0xb8: {  	[sflag:s13] =	ssyncadd.s32 $0xFFFFC000  }
0xb9: {  	_ =	swait.ge [sflag:s13], $0x4000  }
0xba: {  	[sflag:s13] =	ssyncset.done $0x0  }
0xbb: {  	[sflag:s13] =	ssyncadd.s32 $0xFFFFC000  }
0xbc: {  	_ =	swait.ge [sflag:s13], $0x4000  }
0xbd: {  	[sflag:s13] =	ssyncset.done $0x0  }
0xbe: {  	[sflag:s13] =	ssyncadd.s32 $0xFFFFC000  }
0xbf: {  	_ =	swait.ge [sflag:s13], $0x4000  }
0xc0: {  	[sflag:s13] =	ssyncset.done $0x0  }
0xc1: {  	s0 =	rddreg [dreg:$0x3];
	[sflag:s13] =	ssyncadd.s32 $0xFFFFC000  }
0xc2: {  	[hbm4b:s0+s2] =	stream.linear.scatter [tilespmem:s12], [sflag:$0x2], $0x4000, $0x38;
	[tilespmem:$0x10800] =	vst v63  }
0xc3: {  	_ =	swait.ge [sflag:s4], $0x4000  }
0xc4: {  	[sflag:s4] =	ssyncset.done $0x0  }
0xc5: {  	s0 =	rddreg [dreg:$0x4];
	[sflag:s4] =	ssyncadd.s32 $0xFFFFC000  }
0xc6: {  	[hbm4b:s0+s2] =	stream.linear.scatter [tilespmem:s11], [sflag:$0x2], $0x4000, $0x38;
	[tilespmem:$0x10800] =	vst v63  }
0xc7: {  	_ =	swait.ge [sflag:s4], $0x4000  }
0xc8: {  	[sflag:s4] =	ssyncset.done $0x0  }
0xc9: {  	s0 =	rddreg [dreg:$0x5];
	[sflag:s4] =	ssyncadd.s32 $0xFFFFC000  }
0xca: {  	[hbm4b:s0+s2] =	stream.linear.scatter [tilespmem:s10], [sflag:$0x2], $0x4000, $0x38;
	[tilespmem:$0x10800] =	vst v63  }
0xcb: {  	_ =	swait.ge [sflag:s4], $0x4000  }
0xcc: {  	[sflag:s4] =	ssyncset.done $0x0  }
0xcd: {  	s0 =	rddreg [dreg:$0x6];
	[sflag:s4] =	ssyncadd.s32 $0xFFFFC000  }
0xce: {  	[hbm4b:s0+s2] =	stream.linear.scatter [tilespmem:s9], [sflag:$0x2], $0x4000, $0x38;
	[tilespmem:$0x10800] =	vst v63  }
0xcf: {  	_ =	swait.ge [sflag:s4], $0x4000  }
0xd0: {  	[sflag:s4] =	ssyncset.done $0x0  }
0xd1: {  	[sflag:s4] =	ssyncadd.s32 $0xFFFFC000  }
0xd2: {  	[tilespmem:s12], [sflag:$0x1] =	stream.indirect.gather [hbm4b:s7+s14], $0x80, s25, s14, $0xb8;
	[tilespmem:$0x10800] =	vst v63  }
0xd3: {  	_ = 	snop  }
0xd4: {  	[tilespmem:s11], [sflag:$0x1] =	stream.indirect.gather [hbm4b:s7+s14], $0x80, s26, s14, $0xb8;
	[tilespmem:$0x10800] =	vst v63  }
0xd5: {  	_ = 	snop  }
0xd6: {  	[tilespmem:s10], [sflag:$0x1] =	stream.indirect.gather [hbm4b:s7+s14], $0x80, s28, s14, $0xb8;
	[tilespmem:$0x10800] =	vst v63  }
0xd7: {  	_ = 	snop  }
0xd8: {  	[tilespmem:s9], [sflag:$0x1] =	stream.indirect.gather [hbm4b:s7+s14], $0x80, s29, s14, $0xb8;
	[tilespmem:$0x10800] =	vst v63  }
0xd9: {  	_ =	swait.ge [sflag:s13], $0x4000  }
0xda: {  	[sflag:s13] =	ssyncset.done $0x0  }
0xdb: {  	[sflag:s13] =	ssyncadd.s32 $0xFFFFC000  }
0xdc: {  	_ =	swait.ge [sflag:s13], $0x4000  }
0xdd: {  	[sflag:s13] =	ssyncset.done $0x0  }
0xde: {  	[sflag:s13] =	ssyncadd.s32 $0xFFFFC000  }
0xdf: {  	_ =	swait.ge [sflag:s13], $0x4000  }
0xe0: {  	[sflag:s13] =	ssyncset.done $0x0  }
0xe1: {  	[sflag:s13] =	ssyncadd.s32 $0xFFFFC000  }
0xe2: {  	_ =	swait.ge [sflag:s13], $0x4000  }
0xe3: {  	[sflag:s13] =	ssyncset.done $0x0  }
0xe4: {  	s0 =	rddreg [dreg:$0x7];
	[sflag:s13] =	ssyncadd.s32 $0xFFFFC000  }
0xe5: {  	[hbm4b:s0+s2] =	stream.linear.scatter [tilespmem:s12], [sflag:$0x2], $0x4000, $0x38;
	[tilespmem:$0x10800] =	vst v63  }
0xe6: {  	_ =	swait.ge [sflag:s4], $0x4000  }
0xe7: {  	[sflag:s4] =	ssyncset.done $0x0  }
0xe8: {  	s0 =	rddreg [dreg:$0x8];
	[sflag:s4] =	ssyncadd.s32 $0xFFFFC000  }
0xe9: {  	[hbm4b:s0+s2] =	stream.linear.scatter [tilespmem:s11], [sflag:$0x2], $0x4000, $0x38;
	[tilespmem:$0x10800] =	vst v63  }
0xea: {  	_ =	swait.ge [sflag:s4], $0x4000  }
0xeb: {  	[sflag:s4] =	ssyncset.done $0x0  }
0xec: {  	s0 =	rddreg [dreg:$0x9];
	[sflag:s4] =	ssyncadd.s32 $0xFFFFC000  }
0xed: {  	[hbm4b:s0+s2] =	stream.linear.scatter [tilespmem:s10], [sflag:$0x2], $0x4000, $0x38;
	[tilespmem:$0x10800] =	vst v63  }
0xee: {  	_ =	swait.ge [sflag:s4], $0x4000  }
0xef: {  	[sflag:s4] =	ssyncset.done $0x0  }
0xf0: {  	s0 =	rddreg [dreg:$0xa];
	[sflag:s4] =	ssyncadd.s32 $0xFFFFC000  }
0xf1: {  	[hbm4b:s0+s2] =	stream.linear.scatter [tilespmem:s9], [sflag:$0x2], $0x4000, $0x38;
	[tilespmem:$0x10800] =	vst v63  }
0xf2: {  	_ =	swait.ge [sflag:s4], $0x4000  }
0xf3: {  	[sflag:s4] =	ssyncset.done $0x0  }
0xf4: {  	[sflag:s4] =	ssyncadd.s32 $0xFFFFC000  }
0xf5: {  	[tilespmem:s12], [sflag:$0x1] =	stream.indirect.gather [hbm4b:s7+s14], $0x80, s21, s14, $0xb8;
	[tilespmem:$0x10800] =	vst v63  }
0xf6: {  	_ = 	snop  }
0xf7: {  	[tilespmem:s11], [sflag:$0x1] =	stream.indirect.gather [hbm4b:s7+s14], $0x80, s22, s14, $0xb8;
	[tilespmem:$0x10800] =	vst v63  }
0xf8: {  	_ = 	snop  }
0xf9: {  	[tilespmem:s10], [sflag:$0x1] =	stream.indirect.gather [hbm4b:s7+s14], $0x80, s23, s14, $0xb8;
	[tilespmem:$0x10800] =	vst v63  }
0xfa: {  	_ = 	snop  }
0xfb: {  	[tilespmem:s9], [sflag:$0x1] =	stream.indirect.gather [hbm4b:s7+s14], $0x80, s24, s14, $0xb8;
	[tilespmem:$0x10800] =	vst v63  }
0xfc: {  	_ =	swait.ge [sflag:s13], $0x4000  }
0xfd: {  	[sflag:s13] =	ssyncset.done $0x0  }
0xfe: {  	[sflag:s13] =	ssyncadd.s32 $0xFFFFC000  }
0xff: {  	_ =	swait.ge [sflag:s13], $0x4000  }
0x100: {  	[sflag:s13] =	ssyncset.done $0x0  }
0x101: {  	[sflag:s13] =	ssyncadd.s32 $0xFFFFC000  }
0x102: {  	_ =	swait.ge [sflag:s13], $0x4000  }
0x103: {  	[sflag:s13] =	ssyncset.done $0x0  }
0x104: {  	[sflag:s13] =	ssyncadd.s32 $0xFFFFC000  }
0x105: {  	_ =	swait.ge [sflag:s13], $0x4000  }
0x106: {  	[sflag:s13] =	ssyncset.done $0x0  }
0x107: {  	s0 =	rddreg [dreg:$0xb];
	[sflag:s13] =	ssyncadd.s32 $0xFFFFC000  }
0x108: {  	[hbm4b:s0+s2] =	stream.linear.scatter [tilespmem:s12], [sflag:$0x2], $0x4000, $0x38;
	[tilespmem:$0x10800] =	vst v63  }
0x109: {  	_ =	swait.ge [sflag:s4], $0x4000  }
0x10a: {  	[sflag:s4] =	ssyncset.done $0x0  }
0x10b: {  	s0 =	rddreg [dreg:$0xc];
	[sflag:s4] =	ssyncadd.s32 $0xFFFFC000  }
0x10c: {  	[hbm4b:s0+s2] =	stream.linear.scatter [tilespmem:s11], [sflag:$0x2], $0x4000, $0x38;
	[tilespmem:$0x10800] =	vst v63  }
0x10d: {  	_ =	swait.ge [sflag:s4], $0x4000  }
0x10e: {  	[sflag:s4] =	ssyncset.done $0x0  }
0x10f: {  	[sflag:s4] =	ssyncadd.s32 $0xFFFFC000  }
0x110: {  	[hbm4b:s16+s2] =	stream.linear.scatter [tilespmem:s10], [sflag:$0x2], $0x4000, $0x38;
	[tilespmem:$0x10800] =	vst v63  }
0x111: {  	_ =	swait.ge [sflag:s4], $0x4000  }
0x112: {  	[sflag:s4] =	ssyncset.done $0x0  }
0x113: {  	[sflag:s4] =	ssyncadd.s32 $0xFFFFC000  }
0x114: {  	[hbm4b:s15+s2] =	stream.linear.scatter [tilespmem:s9], [sflag:$0x2], $0x4000, $0x38;
	[tilespmem:$0x10800] =	vst v63  }
0x115: {  	_ =	swait.ge [sflag:s4], $0x4000  }
0x116: {  	[sflag:s4] =	ssyncset.done $0x0  }
0x117: {  	[sflag:s4] =	ssyncadd.s32 $0xFFFFC000  }
0x118: {  	[tilespmem:s12], [sflag:$0x1] =	stream.indirect.gather [hbm4b:s7+s14], $0x80, s17, s14, $0xb8;
	[tilespmem:$0x10800] =	vst v63  }
0x119: {  	_ = 	snop  }
0x11a: {  	[tilespmem:s11], [sflag:$0x1] =	stream.indirect.gather [hbm4b:s7+s14], $0x80, s18, s14, $0xb8;
	[tilespmem:$0x10800] =	vst v63  }
0x11b: {  	_ = 	snop  }
0x11c: {  	[tilespmem:s10], [sflag:$0x1] =	stream.indirect.gather [hbm4b:s7+s14], $0x80, s19, s14, $0xb8;
	[tilespmem:$0x10800] =	vst v63  }
0x11d: {  	_ = 	snop  }
0x11e: {  	[tilespmem:s9], [sflag:$0x1] =	stream.indirect.gather [hbm4b:s7+s14], $0x80, s20, s14, $0xb8;
	[tilespmem:$0x10800] =	vst v63  }
0x11f: {  	_ =	swait.ge [sflag:s13], $0x4000  }
0x120: {  	[sflag:s13] =	ssyncset.done $0x0  }
0x121: {  	[sflag:s13] =	ssyncadd.s32 $0xFFFFC000  }
0x122: {  	_ =	swait.ge [sflag:s13], $0x4000  }
0x123: {  	[sflag:s13] =	ssyncset.done $0x0  }
0x124: {  	[sflag:s13] =	ssyncadd.s32 $0xFFFFC000  }
0x125: {  	_ =	swait.ge [sflag:s13], $0x4000  }
0x126: {  	[sflag:s13] =	ssyncset.done $0x0  }
0x127: {  	[sflag:s13] =	ssyncadd.s32 $0xFFFFC000  }
0x128: {  	_ =	swait.ge [sflag:s13], $0x4000  }
0x129: {  	[sflag:s13] =	ssyncset.done $0x0  }
0x12a: {  	[sflag:s13] =	ssyncadd.s32 $0xFFFFC000  }
0x12b: {  	[hbm4b:s8+s2] =	stream.linear.scatter [tilespmem:s12], [sflag:$0x2], $0x4000, $0x38;
	[tilespmem:$0x10800] =	vst v63  }
0x12c: {  	_ =	swait.ge [sflag:s4], $0x4000  }
0x12d: {  	[sflag:s4] =	ssyncset.done $0x0  }
0x12e: {  	[sflag:s4] =	ssyncadd.s32 $0xFFFFC000  }
0x12f: {  	[hbm4b:s6+s2] =	stream.linear.scatter [tilespmem:s11], [sflag:$0x2], $0x4000, $0x38;
	[tilespmem:$0x10800] =	vst v63  }
0x130: {  	_ =	swait.ge [sflag:s4], $0x4000  }
0x131: {  	[sflag:s4] =	ssyncset.done $0x0  }
0x132: {  	[sflag:s4] =	ssyncadd.s32 $0xFFFFC000  }
0x133: {  	[hbm4b:s5+s2] =	stream.linear.scatter [tilespmem:s10], [sflag:$0x2], $0x4000, $0x38;
	[tilespmem:$0x10800] =	vst v63  }
0x134: {  	p1 =	sne.s32 s1, $0x1;
	_ =	swait.ge [sflag:s4], $0x4000  }
.Ltmp2:
0x135: {  	[sflag:s4] =	ssyncset.done $0x0;
	(pc) =	sbr.rel @p1 .LBB2_2-.Ltmp2, $4  }
0x136: {  	[sflag:s4] =	ssyncadd.s32 $0xFFFFC000  }
0x137: {  	[hbm4b:s3+s2] =	stream.linear.scatter [tilespmem:s9], [sflag:$0x2], $0x4000, $0x38;
	[tilespmem:$0x10800] =	vst v63  }
0x138: {  	_ =	swait.ge [sflag:s4], $0x4000  }
0x139: {  	s1 =	sadd.s32 $0xFFFFFFFF, s1;
	s0 =	rddreg [dreg:$0x2];
	[sflag:s4] =	ssyncset.done $0x0  }
.LBB2_3:
0x13a: {  	[sflag:s4] =	ssyncadd.s32 @p0 $0xFFFFC000  }
0x13b: {  	[tilespmem:s2], [sflag:$0x2] =	stream.strided.gather [hbm4b:s0+s14], $0x800, s21, s14, $0x38;
	[tilespmem:$0x10800] =	vst v63  }
0x13c: {  	_ =	swait.ge [sflag:s4], $0x800  }
0x13d: {  	[sflag:s4] =	ssyncset.done $0x0  }
0x13e: {  	[sflag:s4] =	ssyncadd.s32 $0xFFFFF800  }
0x13f: {  	[tilespmem:s12], [sflag:$0x1] =	stream.indirect.gather [hbm4b:s7+s14], $0x80, s2, s14, $0xb8;
	[tilespmem:$0x10800] =	vst v63  }
0x140: {  	_ = 	snop  }
0x141: {  	[tilespmem:s11], [sflag:$0x1] =	stream.indirect.gather [hbm4b:s7+s14], $0x80, s14, s14, $0xb8;
	[tilespmem:$0x10800] =	vst v63  }
0x142: {  	_ = 	snop  }
0x143: {  	[tilespmem:s10], [sflag:$0x1] =	stream.indirect.gather [hbm4b:s7+s14], $0x80, s30, s14, $0xb8;
	[tilespmem:$0x10800] =	vst v63  }
0x144: {  	_ = 	snop  }
0x145: {  	[tilespmem:s9], [sflag:$0x1] =	stream.indirect.gather [hbm4b:s7+s14], $0x80, s31, s14, $0xb8;
	[tilespmem:$0x10800] =	vst v63  }
0x146: {  	_ =	swait.ge [sflag:s13], $0x4000  }
0x147: {  	[sflag:s13] =	ssyncset.done $0x0  }
0x148: {  	[sflag:s13] =	ssyncadd.s32 $0xFFFFC000  }
0x149: {  	_ =	swait.ge [sflag:s13], $0x4000  }
0x14a: {  	[sflag:s13] =	ssyncset.done $0x0  }
0x14b: {  	[sflag:s13] =	ssyncadd.s32 $0xFFFFC000  }
0x14c: {  	_ =	swait.ge [sflag:s13], $0x4000  }
0x14d: {  	[sflag:s13] =	ssyncset.done $0x0  }
0x14e: {  	[sflag:s13] =	ssyncadd.s32 $0xFFFFC000  }
0x14f: {  	_ =	swait.ge [sflag:s13], $0x4000  }
0x150: {  	[sflag:s13] =	ssyncset.done $0x0  }
0x151: {  	s31 =	rddreg [dreg:$0x3];
	[sflag:s13] =	ssyncadd.s32 $0xFFFFC000  }
0x152: {  	[hbm4b:s31+s2] =	stream.linear.scatter [tilespmem:s12], [sflag:$0x2], $0x4000, $0x38;
	[tilespmem:$0x10800] =	vst v63  }
0x153: {  	_ =	swait.ge [sflag:s4], $0x4000  }
0x154: {  	[sflag:s4] =	ssyncset.done $0x0  }
0x155: {  	s1 =	rddreg [dreg:$0x4];
	[sflag:s4] =	ssyncadd.s32 $0xFFFFC000  }
0x156: {  	[hbm4b:s1+s2] =	stream.linear.scatter [tilespmem:s11], [sflag:$0x2], $0x4000, $0x38;
	[tilespmem:$0x10800] =	vst v63  }
0x157: {  	_ =	swait.ge [sflag:s4], $0x4000  }
0x158: {  	[sflag:s4] =	ssyncset.done $0x0  }
0x159: {  	s30 =	rddreg [dreg:$0x5];
	[sflag:s4] =	ssyncadd.s32 $0xFFFFC000  }
0x15a: {  	[hbm4b:s30+s2] =	stream.linear.scatter [tilespmem:s10], [sflag:$0x2], $0x4000, $0x38;
	[tilespmem:$0x10800] =	vst v63  }
0x15b: {  	_ =	swait.ge [sflag:s4], $0x4000  }
0x15c: {  	[sflag:s4] =	ssyncset.done $0x0  }
0x15d: {  	s31 =	rddreg [dreg:$0x6];
	[sflag:s4] =	ssyncadd.s32 $0xFFFFC000  }
0x15e: {  	[hbm4b:s31+s2] =	stream.linear.scatter [tilespmem:s9], [sflag:$0x2], $0x4000, $0x38;
	[tilespmem:$0x10800] =	vst v63  }
0x15f: {  	_ =	swait.ge [sflag:s4], $0x4000  }
0x160: {  	[sflag:s4] =	ssyncset.done $0x0  }
0x161: {  	[sflag:s4] =	ssyncadd.s32 $0xFFFFC000  }
0x162: {  	[tilespmem:s12], [sflag:$0x1] =	stream.indirect.gather [hbm4b:s7+s14], $0x80, s25, s14, $0xb8;
	[tilespmem:$0x10800] =	vst v63  }
0x163: {  	_ = 	snop  }
0x164: {  	[tilespmem:s11], [sflag:$0x1] =	stream.indirect.gather [hbm4b:s7+s14], $0x80, s26, s14, $0xb8;
	[tilespmem:$0x10800] =	vst v63  }
0x165: {  	_ = 	snop  }
0x166: {  	[tilespmem:s10], [sflag:$0x1] =	stream.indirect.gather [hbm4b:s7+s14], $0x80, s28, s14, $0xb8;
	[tilespmem:$0x10800] =	vst v63  }
0x167: {  	_ = 	snop  }
0x168: {  	[tilespmem:s9], [sflag:$0x1] =	stream.indirect.gather [hbm4b:s7+s14], $0x80, s29, s14, $0xb8;
	[tilespmem:$0x10800] =	vst v63  }
0x169: {  	_ =	swait.ge [sflag:s13], $0x4000  }
0x16a: {  	[sflag:s13] =	ssyncset.done $0x0  }
0x16b: {  	[sflag:s13] =	ssyncadd.s32 $0xFFFFC000  }
0x16c: {  	_ =	swait.ge [sflag:s13], $0x4000  }
0x16d: {  	[sflag:s13] =	ssyncset.done $0x0  }
0x16e: {  	[sflag:s13] =	ssyncadd.s32 $0xFFFFC000  }
0x16f: {  	_ =	swait.ge [sflag:s13], $0x4000  }
0x170: {  	[sflag:s13] =	ssyncset.done $0x0  }
0x171: {  	[sflag:s13] =	ssyncadd.s32 $0xFFFFC000  }
0x172: {  	_ =	swait.ge [sflag:s13], $0x4000  }
0x173: {  	[sflag:s13] =	ssyncset.done $0x0  }
0x174: {  	s1 =	rddreg [dreg:$0x7];
	[sflag:s13] =	ssyncadd.s32 $0xFFFFC000  }
0x175: {  	[hbm4b:s1+s2] =	stream.linear.scatter [tilespmem:s12], [sflag:$0x2], $0x4000, $0x38;
	[tilespmem:$0x10800] =	vst v63  }
0x176: {  	_ =	swait.ge [sflag:s4], $0x4000  }
0x177: {  	[sflag:s4] =	ssyncset.done $0x0  }
0x178: {  	s25 =	rddreg [dreg:$0x8];
	[sflag:s4] =	ssyncadd.s32 $0xFFFFC000  }
0x179: {  	[hbm4b:s25+s2] =	stream.linear.scatter [tilespmem:s11], [sflag:$0x2], $0x4000, $0x38;
	[tilespmem:$0x10800] =	vst v63  }
0x17a: {  	_ =	swait.ge [sflag:s4], $0x4000  }
0x17b: {  	[sflag:s4] =	ssyncset.done $0x0  }
0x17c: {  	s26 =	rddreg [dreg:$0x9];
	[sflag:s4] =	ssyncadd.s32 $0xFFFFC000  }
0x17d: {  	[hbm4b:s26+s2] =	stream.linear.scatter [tilespmem:s10], [sflag:$0x2], $0x4000, $0x38;
	[tilespmem:$0x10800] =	vst v63  }
0x17e: {  	_ =	swait.ge [sflag:s4], $0x4000  }
0x17f: {  	[sflag:s4] =	ssyncset.done $0x0  }
0x180: {  	s28 =	rddreg [dreg:$0xa];
	[sflag:s4] =	ssyncadd.s32 $0xFFFFC000  }
0x181: {  	[hbm4b:s28+s2] =	stream.linear.scatter [tilespmem:s9], [sflag:$0x2], $0x4000, $0x38;
	[tilespmem:$0x10800] =	vst v63  }
0x182: {  	_ =	swait.ge [sflag:s4], $0x4000  }
0x183: {  	[sflag:s4] =	ssyncset.done $0x0  }
0x184: {  	[sflag:s4] =	ssyncadd.s32 $0xFFFFC000  }
0x185: {  	[tilespmem:s12], [sflag:$0x1] =	stream.indirect.gather [hbm4b:s7+s14], $0x80, s21, s14, $0xb8;
	[tilespmem:$0x10800] =	vst v63  }
0x186: {  	_ = 	snop  }
0x187: {  	[tilespmem:s11], [sflag:$0x1] =	stream.indirect.gather [hbm4b:s7+s14], $0x80, s22, s14, $0xb8;
	[tilespmem:$0x10800] =	vst v63  }
0x188: {  	_ = 	snop  }
0x189: {  	[tilespmem:s10], [sflag:$0x1] =	stream.indirect.gather [hbm4b:s7+s14], $0x80, s23, s14, $0xb8;
	[tilespmem:$0x10800] =	vst v63  }
0x18a: {  	_ = 	snop  }
0x18b: {  	[tilespmem:s9], [sflag:$0x1] =	stream.indirect.gather [hbm4b:s7+s14], $0x80, s24, s14, $0xb8;
	[tilespmem:$0x10800] =	vst v63  }
0x18c: {  	_ =	swait.ge [sflag:s13], $0x4000  }
0x18d: {  	[sflag:s13] =	ssyncset.done $0x0  }
0x18e: {  	[sflag:s13] =	ssyncadd.s32 $0xFFFFC000  }
0x18f: {  	_ =	swait.ge [sflag:s13], $0x4000  }
0x190: {  	[sflag:s13] =	ssyncset.done $0x0  }
0x191: {  	[sflag:s13] =	ssyncadd.s32 $0xFFFFC000  }
0x192: {  	_ =	swait.ge [sflag:s13], $0x4000  }
0x193: {  	[sflag:s13] =	ssyncset.done $0x0  }
0x194: {  	[sflag:s13] =	ssyncadd.s32 $0xFFFFC000  }
0x195: {  	_ =	swait.ge [sflag:s13], $0x4000  }
0x196: {  	[sflag:s13] =	ssyncset.done $0x0  }
0x197: {  	s29 =	rddreg [dreg:$0xb];
	[sflag:s13] =	ssyncadd.s32 $0xFFFFC000  }
0x198: {  	[hbm4b:s29+s2] =	stream.linear.scatter [tilespmem:s12], [sflag:$0x2], $0x4000, $0x38;
	[tilespmem:$0x10800] =	vst v63  }
0x199: {  	_ =	swait.ge [sflag:s4], $0x4000  }
0x19a: {  	[sflag:s4] =	ssyncset.done $0x0  }
0x19b: {  	s30 =	rddreg [dreg:$0xc];
	[sflag:s4] =	ssyncadd.s32 $0xFFFFC000  }
0x19c: {  	[hbm4b:s30+s2] =	stream.linear.scatter [tilespmem:s11], [sflag:$0x2], $0x4000, $0x38;
	[tilespmem:$0x10800] =	vst v63  }
0x19d: {  	_ =	swait.ge [sflag:s4], $0x4000  }
0x19e: {  	[sflag:s4] =	ssyncset.done $0x0  }
0x19f: {  	[sflag:s4] =	ssyncadd.s32 $0xFFFFC000  }
0x1a0: {  	[hbm4b:s16+s2] =	stream.linear.scatter [tilespmem:s10], [sflag:$0x2], $0x4000, $0x38;
	[tilespmem:$0x10800] =	vst v63  }
0x1a1: {  	_ =	swait.ge [sflag:s4], $0x4000  }
0x1a2: {  	[sflag:s4] =	ssyncset.done $0x0  }
0x1a3: {  	[sflag:s4] =	ssyncadd.s32 $0xFFFFC000  }
0x1a4: {  	[hbm4b:s15+s2] =	stream.linear.scatter [tilespmem:s9], [sflag:$0x2], $0x4000, $0x38;
	[tilespmem:$0x10800] =	vst v63  }
0x1a5: {  	_ =	swait.ge [sflag:s4], $0x4000  }
0x1a6: {  	[sflag:s4] =	ssyncset.done $0x0  }
0x1a7: {  	[sflag:s4] =	ssyncadd.s32 $0xFFFFC000  }
0x1a8: {  	[tilespmem:s12], [sflag:$0x1] =	stream.indirect.gather [hbm4b:s7+s14], $0x80, s17, s14, $0xb8;
	[tilespmem:$0x10800] =	vst v63  }
0x1a9: {  	_ = 	snop  }
0x1aa: {  	[tilespmem:s11], [sflag:$0x1] =	stream.indirect.gather [hbm4b:s7+s14], $0x80, s18, s14, $0xb8;
	[tilespmem:$0x10800] =	vst v63  }
0x1ab: {  	_ = 	snop  }
0x1ac: {  	[tilespmem:s10], [sflag:$0x1] =	stream.indirect.gather [hbm4b:s7+s14], $0x80, s19, s14, $0xb8;
	[tilespmem:$0x10800] =	vst v63  }
0x1ad: {  	_ = 	snop  }
0x1ae: {  	[tilespmem:s9], [sflag:$0x1] =	stream.indirect.gather [hbm4b:s7+s14], $0x80, s20, s14, $0xb8;
	[tilespmem:$0x10800] =	vst v63  }
0x1af: {  	_ =	swait.ge [sflag:s13], $0x4000  }
0x1b0: {  	[sflag:s13] =	ssyncset.done $0x0  }
0x1b1: {  	[sflag:s13] =	ssyncadd.s32 $0xFFFFC000  }
0x1b2: {  	_ =	swait.ge [sflag:s13], $0x4000  }
0x1b3: {  	[sflag:s13] =	ssyncset.done $0x0  }
0x1b4: {  	[sflag:s13] =	ssyncadd.s32 $0xFFFFC000  }
0x1b5: {  	_ =	swait.ge [sflag:s13], $0x4000  }
0x1b6: {  	[sflag:s13] =	ssyncset.done $0x0  }
0x1b7: {  	[sflag:s13] =	ssyncadd.s32 $0xFFFFC000  }
0x1b8: {  	_ =	swait.ge [sflag:s13], $0x4000  }
0x1b9: {  	[sflag:s13] =	ssyncset.done $0x0  }
0x1ba: {  	[sflag:s13] =	ssyncadd.s32 $0xFFFFC000  }
0x1bb: {  	[hbm4b:s8+s2] =	stream.linear.scatter [tilespmem:s12], [sflag:$0x2], $0x4000, $0x38;
	[tilespmem:$0x10800] =	vst v63  }
0x1bc: {  	_ =	swait.ge [sflag:s4], $0x4000  }
0x1bd: {  	[sflag:s4] =	ssyncset.done $0x0  }
0x1be: {  	[sflag:s4] =	ssyncadd.s32 $0xFFFFC000  }
0x1bf: {  	[hbm4b:s6+s2] =	stream.linear.scatter [tilespmem:s11], [sflag:$0x2], $0x4000, $0x38;
	[tilespmem:$0x10800] =	vst v63  }
0x1c0: {  	_ =	swait.ge [sflag:s4], $0x4000  }
0x1c1: {  	[sflag:s4] =	ssyncset.done $0x0  }
0x1c2: {  	[sflag:s4] =	ssyncadd.s32 $0xFFFFC000  }
0x1c3: {  	[hbm4b:s5+s2] =	stream.linear.scatter [tilespmem:s10], [sflag:$0x2], $0x4000, $0x38;
	[tilespmem:$0x10800] =	vst v63  }
0x1c4: {  	_ =	swait.ge [sflag:s4], $0x4000  }
0x1c5: {  	[sflag:s4] =	ssyncset.done $0x0  }
0x1c6: {  	[sflag:s4] =	ssyncadd.s32 $0xFFFFC000  }
0x1c7: {  	[hbm4b:s3+s2] =	stream.linear.scatter [tilespmem:s9], [sflag:$0x2], $0x4000, $0x38;
	[tilespmem:$0x10800] =	vst v63  }
0x1c8: {  	_ =	swait.ge [sflag:s4], $0x4000  }
0x1c9: {  	[sflag:s4] =	ssyncset.done $0x0  }
0x1ca: {  	[sflag:s4] =	ssyncadd.s32 $0xFFFFC000  }
0x1cb: {  	_ =	sfence.sel $0x180000  }
0x1cc: {  	[bflag:$0x0] =	sbarrier.arrive $0xFFFF  }
0x1cd: {  	_ =	strace $0x90000047  }
0x1ce: {  	s31 =	stileid.u32;
	[bflag:$0x2] =	sbarrier.arrive $0xFFFF  }
0x1cf: {  	p0 =	sne.s32 s31, $0x0;
	s0 =	rddreg [dreg:$0x1]  }
0x1d0: {  	s0 =	sadd.s32 @!p0 $0x100000, s0  }
0x1d1: {  	[sflag:s0] =	ssyncadd.tile.s32 @!p0 $0x1;
	_ =	shalt  }
.Lfunc_end2:
_tile_overlayer_lowered:
.L_overlay_start_2:
0x1d2: {  	(tag) =	ssettag $0x2  }
0x1d3: {  	s0 =	rddreg [dreg:$0x0];
	s2 =	stileid.u32  }
0x1d4: {  	s1 =	rddreg [dreg:$0x1];
	p0 =	sne.s32 s2, $0x0  }
0x1d5: {  	s3 =	rddreg [dreg:$0x2];
	[bflag:$0x3] =	sbarrier.arrive $0xFFFF;
	s2 =	simm.s32 @!p0 $0x1C02  }
0x1d6: {  	[timem:s3], [sflag:s2] =	dma.local @!p0 [hbm:s0], s1  }
0x1d7: {  	s0 =	simm.s32 @!p0 $0x2  }
0x1d8: {  	_ =	swait.ge @!p0 [sflag:s0], s1  }
0x1d9: {  	s1 =	ssub.s32 @!p0 $0x0, s1;
	[sflag:s0] =	ssyncset.done @!p0 $0x0  }
0x1da: {  	[sflag:s0] =	ssyncadd.s32 @!p0 s1  }
0x1db: {  	[bflag:$0x3] =	sbarrier.arrive $0xFFFF  }
0x1dc: {  	_ =	shalt  }

</sc_bundles>
